<compile_context>
chip_gen: v7x
topology: tpu7x:2x2x1
jax: 0.10.2.dev20260603
libtpu: 0.0.44.dev20260713+nightly
codegen_flags: <defaults>
</compile_context>

<pallas_src>
import functools

import jax
import jax.numpy as jnp
from jax import lax
from jax.experimental import pallas as pl
from jax.experimental.pallas import tpu as pltpu
from jax.experimental.pallas import tpu_sc as plsc

NC = 2
NS = 16
NW = NC * NS
BLK = 128
CB = 8
CHUNK_E = CB * BLK


def _sc_pairwise(n_edges):
    n_blocks = n_edges // BLK
    n_chunks = n_blocks // CB
    iters = (n_chunks + NW - 1) // NW
    n_pairs = iters // 2
    E = CHUNK_E
    mesh = plsc.VectorSubcoreMesh(core_axis_name="c", subcore_axis_name="s")

    @functools.partial(
        pl.kernel,
        out_type=(
            jax.ShapeDtypeStruct((n_edges,), jnp.float32),
            jax.ShapeDtypeStruct((n_blocks, 4, BLK), jnp.float32),
        ),
        mesh=mesh,
        scratch_types=[
            pltpu.VMEM((2 * E,), jnp.int32),
            pltpu.VMEM((2 * E,), jnp.int32),
            pltpu.VMEM((2 * E, 8), jnp.float32),
            pltpu.VMEM((2 * E, 8), jnp.float32),
            pltpu.VMEM((E,), jnp.float32),
            pltpu.VMEM((E,), jnp.float32),
            pltpu.VMEM((CB, 3, BLK), jnp.float32),
            pltpu.VMEM((CB, 3, BLK), jnp.float32),
            pltpu.SemaphoreType.DMA,
            pltpu.SemaphoreType.DMA,
            pltpu.SemaphoreType.DMA,
            pltpu.SemaphoreType.DMA,
            pltpu.SemaphoreType.DMA,
            pltpu.SemaphoreType.DMA,
            pltpu.VMEM_SHARED((100000, 8), jnp.float32),
        ],
        compiler_params=pltpu.CompilerParams(
            needs_layout_passes=False, use_tc_tiling_on_sc=False),
    )
    def k(pos_hbm, bonds_hbm, dist_hbm, vec_hbm,
          idx0, idx1, rows0, rows1, dist0, dist1, vecb0, vecb1,
          semg0, semg1, semo0, semo1, semb0, semb1, pos_sh):
        idx = (idx0, idx1)
        rows = (rows0, rows1)
        dist_v = (dist0, dist1)
        vec_v = (vecb0, vecb1)
        semg = (semg0, semg1)
        semo = (semo0, semo1)
        semb = (semb0, semb1)

        wid = lax.axis_index("s") * NC + lax.axis_index("c")
        lane = lax.iota(jnp.int32, 16)
        c0v = jnp.zeros((16,), jnp.int32)
        c1v = jnp.ones((16,), jnp.int32)
        c2v = jnp.full((16,), 2, jnp.int32)

        def compute_chunk(b, c):
            rows_v = rows[b]

            def grp(i, carry2):
                kb = i // 8
                m = (i % 8) * 16
                srow = kb * 256 + m + lane
                drow = srow + 128
                sx = plsc.load_gather(rows_v, [srow, c0v])
                sy = plsc.load_gather(rows_v, [srow, c1v])
                sz = plsc.load_gather(rows_v, [srow, c2v])
                dx = plsc.load_gather(rows_v, [drow, c0v]) - sx
                dy = plsc.load_gather(rows_v, [drow, c1v]) - sy
                dz = plsc.load_gather(rows_v, [drow, c2v]) - sz
                ss = dx * dx + dy * dy + dz * dz + 1e-6
                yi = 0x5F375A86 - lax.shift_right_arithmetic(
                    plsc.bitcast(ss, jnp.int32), 1)
                y = plsc.bitcast(yi, jnp.float32)
                xh = 0.5 * ss
                y = y * (1.5 - xh * y * y)
                y = y * (1.5 - xh * y * y)
                y = y * (1.5 - xh * y * y)
                dist_v[b][pl.ds(i * 16, 16)] = ss * y
                vec_v[b][kb, 0, pl.ds(m, 16)] = dx * y
                vec_v[b][kb, 1, pl.ds(m, 16)] = dy * y
                vec_v[b][kb, 2, pl.ds(m, 16)] = dz * y
                return carry2

            lax.fori_loop(0, E // 16, grp, 0)

        def start_bonds(b, c):
            pltpu.async_copy(bonds_hbm.at[pl.ds(c * 2 * E, 2 * E)], idx[b],
                             semb[b])

        def drain_bonds(b):
            pltpu.make_async_copy(
                bonds_hbm.at[pl.ds(0, 2 * E)], idx[b], semb[b]).wait()

        def start_gather(b):
            pltpu.async_copy(pos_sh.at[idx[b]], rows[b], semg[b])

        def drain_gather(b):
            pltpu.make_async_copy(pos_sh.at[idx[b]], rows[b], semg[b]).wait()

        def drain_out(b):
            pltpu.make_async_copy(
                dist_hbm.at[pl.ds(0, E)], dist_v[b], semo[b]).wait()
            pltpu.make_async_copy(
                vec_hbm.at[pl.ds(0, CB), pl.ds(0, 3)], vec_v[b],
                semo[b]).wait()

        def body(p, c, b):
            @pl.when(c + NW < n_chunks)
            def _():
                drain_bonds(1 - b)
                start_gather(1 - b)

            @pl.when(c < n_chunks)
            def _():
                drain_gather(b)

            @pl.when(c + 2 * NW < n_chunks)
            def _():
                start_bonds(b, c + 2 * NW)

            @pl.when((p >= 1) & (c - 2 * NW < n_chunks))
            def _():
                drain_out(b)

            @pl.when(c < n_chunks)
            def _():
                compute_chunk(b, c)
                pltpu.async_copy(dist_v[b], dist_hbm.at[pl.ds(c * E, E)],
                                 semo[b])
                pltpu.async_copy(
                    vec_v[b], vec_hbm.at[pl.ds(c * CB, CB), pl.ds(0, 3)],
                    semo[b])

        @pl.when(lax.axis_index("s") == 0)
        def _():
            pltpu.sync_copy(pos_hbm, pos_sh)

        plsc.subcore_barrier()

        start_bonds(0, wid)
        drain_bonds(0)
        start_gather(0)
        start_bonds(1, wid + NW)

        def pair_body(p, carry):
            body(p, wid + (2 * p) * NW, 0)
            body(p, wid + (2 * p + 1) * NW, 1)
            return carry

        lax.fori_loop(0, n_pairs, pair_body, 0)

        @pl.when(wid + (iters - 2) * NW < n_chunks)
        def _():
            drain_out(0)

        @pl.when(wid + (iters - 1) * NW < n_chunks)
        def _():
            drain_out(1)

    return k


_SEL8 = None


def _selector8():
    global _SEL8
    if _SEL8 is None:
        _SEL8 = jnp.concatenate(
            [jnp.eye(3, dtype=jnp.float32), jnp.zeros((3, 5), jnp.float32)],
            axis=1)
    return _SEL8


def kernel(positions, bonds):
    n_edges = bonds.shape[0]
    n_blocks = n_edges // BLK
    pos8 = jnp.dot(positions, _selector8(),
                   precision=jax.lax.Precision.HIGH)
    bonds_blocks = bonds.reshape(n_blocks, BLK, 2).transpose(0, 2, 1).reshape(-1)
    dist, vec3 = _sc_pairwise(n_edges)(pos8, bonds_blocks)
    vec = vec3.transpose(0, 2, 1).reshape(n_edges, 4)[:, :3]
    return (dist.reshape(n_edges, 1), vec)

# --- scband reference (transcript-rebuilt; emitter-appended) ---
"""Pipeline reference for scband-pairwise-layer-40003325395252 (READ-ONLY COPY).

The authoritative reference and input builder live on the scoring server;
editing this copy changes nothing except your own understanding.
"""

import jax, jax.numpy as jnp
import numpy as np


def setup_inputs(seed: int = 0) -> dict:
    key = jax.random.key(seed)
    k1, k2 = jax.random.split(key)
    positions = jax.random.normal(k1, (100000, 3), dtype=jnp.float32)
    bonds = jax.random.randint(k2, (6400000, 2), 0, 100000, dtype=jnp.int32)
    return {"positions": positions, "bonds": bonds}


def reference(positions, bonds):
    # gather endpoints of each bond (edge)
    src = jnp.take(positions, bonds[:, 0], axis=0)
    dst = jnp.take(positions, bonds[:, 1], axis=0)
    vectors = dst - src
    distances = jnp.sqrt(jnp.sum(vectors ** 2, axis=-1, keepdims=True) + 1e-06)
    # norm=True (module default): normalize pairwise vectors
    vectors = vectors / distances
    return (distances, vectors)

if __name__ == "__main__":
    import jax
    _d = setup_inputs()
    print(jax.jit(kernel)(*tuple(_d.values())))

</pallas_src>

<mosaic_0001>
#map = affine_map<(d0, d1) -> (0, 0)>
#map1 = affine_map<(d0, d1) -> (0)>
#map2 = affine_map<(d0, d1) -> (0, 0, 0)>
module attributes {stable_mosaic.version = 14 : i64} {
  func.func @k(%arg0: i32, %arg1: i32, %arg2: memref<100000x8xf32, #tpu.memory_space<hbm>>, %arg3: memref<12800000xi32, #tpu.memory_space<hbm>>, %arg4: memref<6400000xf32, #tpu.memory_space<hbm>>, %arg5: memref<50000x4x128xf32, #tpu.memory_space<hbm>>, %arg6: memref<2048xi32, #tpu.memory_space<vmem>>, %arg7: memref<2048xi32, #tpu.memory_space<vmem>>, %arg8: memref<2048x8xf32, #tpu.memory_space<vmem>>, %arg9: memref<2048x8xf32, #tpu.memory_space<vmem>>, %arg10: memref<1024xf32, #tpu.memory_space<vmem>>, %arg11: memref<1024xf32, #tpu.memory_space<vmem>>, %arg12: memref<8x3x128xf32, #tpu.memory_space<vmem>>, %arg13: memref<8x3x128xf32, #tpu.memory_space<vmem>>, %arg14: memref<!tpu.dma_semaphore, #tpu.memory_space<semaphore_mem>>, %arg15: memref<!tpu.dma_semaphore, #tpu.memory_space<semaphore_mem>>, %arg16: memref<!tpu.dma_semaphore, #tpu.memory_space<semaphore_mem>>, %arg17: memref<!tpu.dma_semaphore, #tpu.memory_space<semaphore_mem>>, %arg18: memref<!tpu.dma_semaphore, #tpu.memory_space<semaphore_mem>>, %arg19: memref<!tpu.dma_semaphore, #tpu.memory_space<semaphore_mem>>, %arg20: memref<100000x8xf32, #tpu.memory_space<vmem_shared>>) attributes {dimension_semantics = [#tpu.dimension_semantics<core_parallel>, #tpu.dimension_semantics<subcore_parallel>], iteration_bounds = array<i64: 2, 16>, scalar_prefetch = 0 : i64, scratch_operands = 15 : i64, tpu.core_type = #tpu.core_type<sc_vector_subcore>, window_params = [{transform_indices = #map}, {transform_indices = #map1}, {transform_indices = #map1}, {transform_indices = #map2}]} {
    %mul3A = arith.constant 2 : i32
    %mul3A_0 = arith.muli %arg1, %mul3A : i32
    %add3A = arith.addi %mul3A_0, %arg0 : i32
    %iota3A = tpu.iota {dimensions = array<i32: 0>} : vector<16xi32>
    %broadcast_in_dim3A = arith.constant 0 : i32
    %broadcast_in_dim3A_1 = vector.broadcast %broadcast_in_dim3A : i32 to vector<16xi32>
    %broadcast_in_dim3A_2 = arith.constant 1 : i32
    %broadcast_in_dim3A_3 = vector.broadcast %broadcast_in_dim3A_2 : i32 to vector<16xi32>
    %broadcast_in_dim3A_4 = arith.constant 2 : i32
    %broadcast_in_dim3A_5 = vector.broadcast %broadcast_in_dim3A_4 : i32 to vector<16xi32>
    %eq3A = arith.constant 0 : i32
    %eq3A_6 = arith.cmpi eq, %arg1, %eq3A : i32
    %convert_element_type3A = arith.extui %eq3A_6 : i1 to i32
    %cond3A = arith.constant 0 : i32
    %cond3A_7 = arith.cmpi ne, %convert_element_type3A, %cond3A : i32
    scf.if %cond3A_7 {
      "tpu.region"() ({
        %run_scoped3A = tpu.sem_alloc : memref<!tpu.dma_semaphore, #tpu.memory_space<semaphore_mem>>
        tpu.enqueue_dma source(%arg2 : memref<100000x8xf32, #tpu.memory_space<hbm>>) target(%arg20 : memref<100000x8xf32, #tpu.memory_space<vmem_shared>>) target_semaphore(%run_scoped3A : memref<!tpu.dma_semaphore, #tpu.memory_space<semaphore_mem>>)
        tpu.wait_dma2 semaphore(%run_scoped3A : memref<!tpu.dma_semaphore, #tpu.memory_space<semaphore_mem>>) src(%arg2 : memref<100000x8xf32, #tpu.memory_space<hbm>>) dst(%arg20 : memref<100000x8xf32, #tpu.memory_space<vmem_shared>>)
        tpu.yield
      }) : () -> ()
    } else {
    }
    %barrier3A = arith.constant 0 : index
    tpu.barrier barrier_id(%barrier3A)
    %mul3A_8 = arith.constant 2 : i32
    %mul3A_9 = arith.muli %add3A, %mul3A_8 : i32
    %mul3A_10 = arith.constant 1024 : i32
    %mul3A_11 = arith.muli %mul3A_9, %mul3A_10 : i32
    %dma_start3A = tpu.memref_slice %arg3[%mul3A_11] : memref<12800000xi32, #tpu.memory_space<hbm>> -> memref<2048xi32, #tpu.memory_space<hbm>>
    %dma_start3A_12 = tpu.memref_slice %arg3[%mul3A_11] : memref<12800000xi32, #tpu.memory_space<hbm>> -> memref<2048xi32, #tpu.memory_space<hbm>>
    tpu.enqueue_dma source(%dma_start3A_12 : memref<2048xi32, #tpu.memory_space<hbm>>) target(%arg6 : memref<2048xi32, #tpu.memory_space<vmem>>) target_semaphore(%arg18 : memref<!tpu.dma_semaphore, #tpu.memory_space<semaphore_mem>>)
    %dma_wait3A = arith.constant 0 : i32
    %dma_wait3A_13 = tpu.memref_slice %arg3[%dma_wait3A] : memref<12800000xi32, #tpu.memory_space<hbm>> -> memref<2048xi32, #tpu.memory_space<hbm>>
    %dma_wait3A_14 = arith.constant 0 : i32
    %dma_wait3A_15 = tpu.memref_slice %arg3[%dma_wait3A_14] : memref<12800000xi32, #tpu.memory_space<hbm>> -> memref<2048xi32, #tpu.memory_space<hbm>>
    tpu.wait_dma2 semaphore(%arg18 : memref<!tpu.dma_semaphore, #tpu.memory_space<semaphore_mem>>) src(%dma_wait3A_15 : memref<2048xi32, #tpu.memory_space<hbm>>) dst(%arg6 : memref<2048xi32, #tpu.memory_space<vmem>>)
    %dma_start3A_16 = arith.constant 0 : i32
    %dma_start3A_17 = arith.constant 0 : i32
    %dma_start3A_18 = tpu.memref_slice %arg20[%dma_start3A_16, %dma_start3A_17] : memref<100000x8xf32, #tpu.memory_space<vmem_shared>> -> memref<100000x8xf32, #tpu.memory_space<vmem_shared>>
    tpu.enqueue_indirect_dma source(%dma_start3A_18 : memref<100000x8xf32, #tpu.memory_space<vmem_shared>>) target(%arg8 : memref<2048x8xf32, #tpu.memory_space<vmem>>) offsets(%arg6 : memref<2048xi32, #tpu.memory_space<vmem>>) semaphore(%arg14 : memref<!tpu.dma_semaphore, #tpu.memory_space<semaphore_mem>>)
    %add3A_19 = arith.constant 32 : i32
    %add3A_20 = arith.addi %add3A, %add3A_19 : i32
    %mul3A_21 = arith.constant 2 : i32
    %mul3A_22 = arith.muli %add3A_20, %mul3A_21 : i32
    %mul3A_23 = arith.constant 1024 : i32
    %mul3A_24 = arith.muli %mul3A_22, %mul3A_23 : i32
    %dma_start3A_25 = tpu.memref_slice %arg3[%mul3A_24] : memref<12800000xi32, #tpu.memory_space<hbm>> -> memref<2048xi32, #tpu.memory_space<hbm>>
    %dma_start3A_26 = tpu.memref_slice %arg3[%mul3A_24] : memref<12800000xi32, #tpu.memory_space<hbm>> -> memref<2048xi32, #tpu.memory_space<hbm>>
    tpu.enqueue_dma source(%dma_start3A_26 : memref<2048xi32, #tpu.memory_space<hbm>>) target(%arg7 : memref<2048xi32, #tpu.memory_space<vmem>>) target_semaphore(%arg19 : memref<!tpu.dma_semaphore, #tpu.memory_space<semaphore_mem>>)
    %scan3A = arith.constant 0 : i32
    %scan3A_27 = arith.constant 0 : i32
    %scan3A_28 = arith.constant 98 : i32
    %scan3A_29 = arith.addi %scan3A_27, %scan3A_28 : i32
    %scan3A_30 = arith.constant 1 : i32
    scf.for %scan3A_45 = %scan3A_27 to %scan3A_29 step %scan3A_30  : i32 {
      %mul3A_46 = arith.constant 2 : i32
      %mul3A_47 = arith.muli %mul3A_46, %scan3A_45 : i32
      %mul3A_48 = arith.constant 32 : i32
      %mul3A_49 = arith.muli %mul3A_47, %mul3A_48 : i32
      %add3A_50 = arith.addi %add3A, %mul3A_49 : i32
      %add3A_51 = arith.constant 32 : i32
      %add3A_52 = arith.addi %add3A_50, %add3A_51 : i32
      %lt3A_53 = arith.constant 6250 : i32
      %lt3A_54 = arith.cmpi slt, %add3A_52, %lt3A_53 : i32
      %convert_element_type3A_55 = arith.extui %lt3A_54 : i1 to i32
      %cond3A_56 = arith.constant 0 : i32
      %cond3A_57 = arith.cmpi ne, %convert_element_type3A_55, %cond3A_56 : i32
      scf.if %cond3A_57 {
        %dma_wait3A_123 = arith.constant 0 : i32
        %dma_wait3A_124 = tpu.memref_slice %arg3[%dma_wait3A_123] : memref<12800000xi32, #tpu.memory_space<hbm>> -> memref<2048xi32, #tpu.memory_space<hbm>>
        %dma_wait3A_125 = arith.constant 0 : i32
        %dma_wait3A_126 = tpu.memref_slice %arg3[%dma_wait3A_125] : memref<12800000xi32, #tpu.memory_space<hbm>> -> memref<2048xi32, #tpu.memory_space<hbm>>
        tpu.wait_dma2 semaphore(%arg19 : memref<!tpu.dma_semaphore, #tpu.memory_space<semaphore_mem>>) src(%dma_wait3A_126 : memref<2048xi32, #tpu.memory_space<hbm>>) dst(%arg7 : memref<2048xi32, #tpu.memory_space<vmem>>)
        %dma_start3A_127 = arith.constant 0 : i32
        %dma_start3A_128 = arith.constant 0 : i32
        %dma_start3A_129 = tpu.memref_slice %arg20[%dma_start3A_127, %dma_start3A_128] : memref<100000x8xf32, #tpu.memory_space<vmem_shared>> -> memref<100000x8xf32, #tpu.memory_space<vmem_shared>>
        tpu.enqueue_indirect_dma source(%dma_start3A_129 : memref<100000x8xf32, #tpu.memory_space<vmem_shared>>) target(%arg9 : memref<2048x8xf32, #tpu.memory_space<vmem>>) offsets(%arg7 : memref<2048xi32, #tpu.memory_space<vmem>>) semaphore(%arg15 : memref<!tpu.dma_semaphore, #tpu.memory_space<semaphore_mem>>)
      } else {
      }
      %lt3A_58 = arith.constant 6250 : i32
      %lt3A_59 = arith.cmpi slt, %add3A_50, %lt3A_58 : i32
      %convert_element_type3A_60 = arith.extui %lt3A_59 : i1 to i32
      %cond3A_61 = arith.constant 0 : i32
      %cond3A_62 = arith.cmpi ne, %convert_element_type3A_60, %cond3A_61 : i32
      scf.if %cond3A_62 {
        %dma_wait3A_123 = arith.constant 0 : i32
        %dma_wait3A_124 = arith.constant 0 : i32
        %dma_wait3A_125 = tpu.memref_slice %arg20[%dma_wait3A_123, %dma_wait3A_124] : memref<100000x8xf32, #tpu.memory_space<vmem_shared>> -> memref<100000x8xf32, #tpu.memory_space<vmem_shared>>
        tpu.wait_indirect_dma semaphore(%arg14 : memref<!tpu.dma_semaphore, #tpu.memory_space<semaphore_mem>>) src(%dma_wait3A_125 : memref<100000x8xf32, #tpu.memory_space<vmem_shared>>) dst(%arg8 : memref<2048x8xf32, #tpu.memory_space<vmem>>)
      } else {
      }
      %add3A_63 = arith.constant 64 : i32
      %add3A_64 = arith.addi %add3A_50, %add3A_63 : i32
      %lt3A_65 = arith.constant 6250 : i32
      %lt3A_66 = arith.cmpi slt, %add3A_64, %lt3A_65 : i32
      %convert_element_type3A_67 = arith.extui %lt3A_66 : i1 to i32
      %cond3A_68 = arith.constant 0 : i32
      %cond3A_69 = arith.cmpi ne, %convert_element_type3A_67, %cond3A_68 : i32
      scf.if %cond3A_69 {
        %add3A_123 = arith.constant 64 : i32
        %add3A_124 = arith.addi %add3A_50, %add3A_123 : i32
        %mul3A_125 = arith.constant 2 : i32
        %mul3A_126 = arith.muli %add3A_124, %mul3A_125 : i32
        %mul3A_127 = arith.constant 1024 : i32
        %mul3A_128 = arith.muli %mul3A_126, %mul3A_127 : i32
        %dma_start3A_129 = tpu.memref_slice %arg3[%mul3A_128] : memref<12800000xi32, #tpu.memory_space<hbm>> -> memref<2048xi32, #tpu.memory_space<hbm>>
        %dma_start3A_130 = tpu.memref_slice %arg3[%mul3A_128] : memref<12800000xi32, #tpu.memory_space<hbm>> -> memref<2048xi32, #tpu.memory_space<hbm>>
        tpu.enqueue_dma source(%dma_start3A_130 : memref<2048xi32, #tpu.memory_space<hbm>>) target(%arg6 : memref<2048xi32, #tpu.memory_space<vmem>>) target_semaphore(%arg18 : memref<!tpu.dma_semaphore, #tpu.memory_space<semaphore_mem>>)
      } else {
      }
      %ge3A = arith.constant 1 : i32
      %ge3A_70 = arith.cmpi sge, %scan3A_45, %ge3A : i32
      %sub3A = arith.constant 64 : i32
      %sub3A_71 = arith.subi %add3A_50, %sub3A : i32
      %lt3A_72 = arith.constant 6250 : i32
      %lt3A_73 = arith.cmpi slt, %sub3A_71, %lt3A_72 : i32
      %and3A = arith.andi %ge3A_70, %lt3A_73 : i1
      %convert_element_type3A_74 = arith.extui %and3A : i1 to i32
      %cond3A_75 = arith.constant 0 : i32
      %cond3A_76 = arith.cmpi ne, %convert_element_type3A_74, %cond3A_75 : i32
      scf.if %cond3A_76 {
        %dma_wait3A_123 = arith.constant 0 : i32
        %dma_wait3A_124 = tpu.memref_slice %arg4[%dma_wait3A_123] : memref<6400000xf32, #tpu.memory_space<hbm>> -> memref<1024xf32, #tpu.memory_space<hbm>>
        %dma_wait3A_125 = arith.constant 0 : i32
        %dma_wait3A_126 = tpu.memref_slice %arg4[%dma_wait3A_125] : memref<6400000xf32, #tpu.memory_space<hbm>> -> memref<1024xf32, #tpu.memory_space<hbm>>
        tpu.wait_dma2 semaphore(%arg16 : memref<!tpu.dma_semaphore, #tpu.memory_space<semaphore_mem>>) src(%dma_wait3A_126 : memref<1024xf32, #tpu.memory_space<hbm>>) dst(%arg10 : memref<1024xf32, #tpu.memory_space<vmem>>)
        %dma_wait3A_127 = arith.constant 0 : i32
        %dma_wait3A_128 = arith.constant 0 : i32
        %dma_wait3A_129 = arith.constant 0 : i32
        %dma_wait3A_130 = tpu.memref_slice %arg5[%dma_wait3A_127, %dma_wait3A_128, %dma_wait3A_129] : memref<50000x4x128xf32, #tpu.memory_space<hbm>> -> memref<8x3x128xf32, #tpu.memory_space<hbm>>
        %dma_wait3A_131 = arith.constant 0 : i32
        %dma_wait3A_132 = arith.constant 0 : i32
        %dma_wait3A_133 = arith.constant 0 : i32
        %dma_wait3A_134 = tpu.memref_slice %arg5[%dma_wait3A_131, %dma_wait3A_132, %dma_wait3A_133] : memref<50000x4x128xf32, #tpu.memory_space<hbm>> -> memref<8x3x128xf32, #tpu.memory_space<hbm>>
        tpu.wait_dma2 semaphore(%arg16 : memref<!tpu.dma_semaphore, #tpu.memory_space<semaphore_mem>>) src(%dma_wait3A_134 : memref<8x3x128xf32, #tpu.memory_space<hbm>>) dst(%arg12 : memref<8x3x128xf32, #tpu.memory_space<vmem>>)
      } else {
      }
      %lt3A_77 = arith.constant 6250 : i32
      %lt3A_78 = arith.cmpi slt, %add3A_50, %lt3A_77 : i32
      %convert_element_type3A_79 = arith.extui %lt3A_78 : i1 to i32
      %cond3A_80 = arith.constant 0 : i32
      %cond3A_81 = arith.cmpi ne, %convert_element_type3A_79, %cond3A_80 : i32
      scf.if %cond3A_81 {
        %scan3A_123 = arith.constant 0 : i32
        %scan3A_124 = arith.constant 0 : i32
        %scan3A_125 = arith.constant 64 : i32
        %scan3A_126 = arith.addi %scan3A_124, %scan3A_125 : i32
        %scan3A_127 = arith.constant 1 : i32
        scf.for %scan3A_141 = %scan3A_124 to %scan3A_126 step %scan3A_127  : i32 {
          %jit3A = arith.constant 8 : i32
          %div3A = arith.divsi %scan3A_141, %jit3A : i32
          %sign3A = arith.constant 0 : i32
          %sign3A_142 = arith.cmpi sgt, %scan3A_141, %sign3A : i32
          %sign3A_143 = arith.extui %sign3A_142 : i1 to i32
          %sign3A_144 = arith.constant 0 : i32
          %sign3A_145 = arith.cmpi slt, %scan3A_141, %sign3A_144 : i32
          %sign3A_146 = arith.extui %sign3A_145 : i1 to i32
          %sign3A_147 = arith.subi %sign3A_143, %sign3A_146 : i32
          %sign3A_148 = arith.constant 0 : i32
          %sign3A_149 = arith.cmpi sgt, %jit3A, %sign3A_148 : i32
          %sign3A_150 = arith.extui %sign3A_149 : i1 to i32
          %sign3A_151 = arith.constant 0 : i32
          %sign3A_152 = arith.cmpi slt, %jit3A, %sign3A_151 : i32
          %sign3A_153 = arith.extui %sign3A_152 : i1 to i32
          %sign3A_154 = arith.subi %sign3A_150, %sign3A_153 : i32
          %ne3A = arith.cmpi ne, %sign3A_147, %sign3A_154 : i32
          %rem3A = arith.remsi %scan3A_141, %jit3A : i32
          %ne3A_155 = arith.constant 0 : i32
          %ne3A_156 = arith.cmpi ne, %rem3A, %ne3A_155 : i32
          %and3A_157 = arith.andi %ne3A, %ne3A_156 : i1
          %sub3A_158 = arith.constant 1 : i32
          %sub3A_159 = arith.subi %div3A, %sub3A_158 : i32
          %select_n3A = arith.select %and3A_157, %sub3A_159, %div3A : i32
          %jit3A_160 = arith.constant 8 : i32
          %eq3A_161 = arith.constant 0 : i32
          %eq3A_162 = arith.cmpi eq, %jit3A_160, %eq3A_161 : i32
          %jit3A_163 = arith.constant 1 : i32
          %select_n3A_164 = arith.select %eq3A_162, %jit3A_163, %jit3A_160 : i32
          %rem3A_165 = arith.remsi %scan3A_141, %select_n3A_164 : i32
          %ne3A_166 = arith.constant 0 : i32
          %ne3A_167 = arith.cmpi ne, %rem3A_165, %ne3A_166 : i32
          %lt3A_168 = arith.constant 0 : i32
          %lt3A_169 = arith.cmpi slt, %rem3A_165, %lt3A_168 : i32
          %lt3A_170 = arith.constant 0 : i32
          %lt3A_171 = arith.cmpi slt, %select_n3A_164, %lt3A_170 : i32
          %ne3A_172 = arith.xori %lt3A_169, %lt3A_171 : i1
          %and3A_173 = arith.andi %ne3A_172, %ne3A_167 : i1
          %add3A_174 = arith.addi %rem3A_165, %select_n3A_164 : i32
          %select_n3A_175 = arith.select %and3A_173, %add3A_174, %rem3A_165 : i32
          %mul3A_176 = arith.constant 16 : i32
          %mul3A_177 = arith.muli %select_n3A_175, %mul3A_176 : i32
          %mul3A_178 = arith.constant 256 : i32
          %mul3A_179 = arith.muli %select_n3A, %mul3A_178 : i32
          %add3A_180 = arith.addi %mul3A_179, %mul3A_177 : i32
          %add3A_181 = vector.broadcast %add3A_180 : i32 to vector<16xi32>
          %add3A_182 = arith.addi %add3A_181, %iota3A : vector<16xi32>
          %add3A_183 = arith.constant 128 : i32
          %add3A_184 = vector.broadcast %add3A_183 : i32 to vector<16xi32>
          %add3A_185 = arith.addi %add3A_182, %add3A_184 : vector<16xi32>
          %gather3A = tpu.vector_load_idx %arg8[%add3A_182, %broadcast_in_dim3A_1] : memref<2048x8xf32, #tpu.memory_space<vmem>>[vector<16xi32>, vector<16xi32>], vector<16xf32>,
          %gather3A_186 = tpu.vector_load_idx %arg8[%add3A_182, %broadcast_in_dim3A_3] : memref<2048x8xf32, #tpu.memory_space<vmem>>[vector<16xi32>, vector<16xi32>], vector<16xf32>,
          %gather3A_187 = tpu.vector_load_idx %arg8[%add3A_182, %broadcast_in_dim3A_5] : memref<2048x8xf32, #tpu.memory_space<vmem>>[vector<16xi32>, vector<16xi32>], vector<16xf32>,
          %gather3A_188 = tpu.vector_load_idx %arg8[%add3A_185, %broadcast_in_dim3A_1] : memref<2048x8xf32, #tpu.memory_space<vmem>>[vector<16xi32>, vector<16xi32>], vector<16xf32>,
          %sub3A_189 = arith.subf %gather3A_188, %gather3A : vector<16xf32>
          %gather3A_190 = tpu.vector_load_idx %arg8[%add3A_185, %broadcast_in_dim3A_3] : memref<2048x8xf32, #tpu.memory_space<vmem>>[vector<16xi32>, vector<16xi32>], vector<16xf32>,
          %sub3A_191 = arith.subf %gather3A_190, %gather3A_186 : vector<16xf32>
          %gather3A_192 = tpu.vector_load_idx %arg8[%add3A_185, %broadcast_in_dim3A_5] : memref<2048x8xf32, #tpu.memory_space<vmem>>[vector<16xi32>, vector<16xi32>], vector<16xf32>,
          %sub3A_193 = arith.subf %gather3A_192, %gather3A_187 : vector<16xf32>
          %mul3A_194 = arith.mulf %sub3A_189, %sub3A_189 : vector<16xf32>
          %mul3A_195 = arith.mulf %sub3A_191, %sub3A_191 : vector<16xf32>
          %add3A_196 = arith.addf %mul3A_194, %mul3A_195 : vector<16xf32>
          %mul3A_197 = arith.mulf %sub3A_193, %sub3A_193 : vector<16xf32>
          %add3A_198 = arith.addf %add3A_196, %mul3A_197 : vector<16xf32>
          %add3A_199 = arith.constant 9.99999997E-7 : f32
          %add3A_200 = vector.broadcast %add3A_199 : f32 to vector<16xf32>
          %add3A_201 = arith.addf %add3A_198, %add3A_200 : vector<16xf32>
          %bitcast3A = vector.bitcast %add3A_201 : vector<16xf32> to vector<16xi32>
          %shift_right_arithmetic3A = arith.constant 1 : i32
          %shift_right_arithmetic3A_202 = vector.broadcast %shift_right_arithmetic3A : i32 to vector<16xi32>
          %shift_right_arithmetic3A_203 = arith.shrsi %bitcast3A, %shift_right_arithmetic3A_202 : vector<16xi32>
          %sub3A_204 = arith.constant 1597463174 : i32
          %sub3A_205 = vector.broadcast %sub3A_204 : i32 to vector<16xi32>
          %sub3A_206 = arith.subi %sub3A_205, %shift_right_arithmetic3A_203 : vector<16xi32>
          %bitcast3A_207 = vector.bitcast %sub3A_206 : vector<16xi32> to vector<16xf32>
          %mul3A_208 = arith.constant 5.000000e-01 : f32
          %mul3A_209 = vector.broadcast %mul3A_208 : f32 to vector<16xf32>
          %mul3A_210 = arith.mulf %mul3A_209, %add3A_201 : vector<16xf32>
          %mul3A_211 = arith.mulf %mul3A_210, %bitcast3A_207 : vector<16xf32>
          %mul3A_212 = arith.mulf %mul3A_211, %bitcast3A_207 : vector<16xf32>
          %sub3A_213 = arith.constant 1.500000e+00 : f32
          %sub3A_214 = vector.broadcast %sub3A_213 : f32 to vector<16xf32>
          %sub3A_215 = arith.subf %sub3A_214, %mul3A_212 : vector<16xf32>
          %mul3A_216 = arith.mulf %bitcast3A_207, %sub3A_215 : vector<16xf32>
          %mul3A_217 = arith.mulf %mul3A_210, %mul3A_216 : vector<16xf32>
          %mul3A_218 = arith.mulf %mul3A_217, %mul3A_216 : vector<16xf32>
          %sub3A_219 = arith.constant 1.500000e+00 : f32
          %sub3A_220 = vector.broadcast %sub3A_219 : f32 to vector<16xf32>
          %sub3A_221 = arith.subf %sub3A_220, %mul3A_218 : vector<16xf32>
          %mul3A_222 = arith.mulf %mul3A_216, %sub3A_221 : vector<16xf32>
          %mul3A_223 = arith.mulf %mul3A_210, %mul3A_222 : vector<16xf32>
          %mul3A_224 = arith.mulf %mul3A_223, %mul3A_222 : vector<16xf32>
          %sub3A_225 = arith.constant 1.500000e+00 : f32
          %sub3A_226 = vector.broadcast %sub3A_225 : f32 to vector<16xf32>
          %sub3A_227 = arith.subf %sub3A_226, %mul3A_224 : vector<16xf32>
          %mul3A_228 = arith.mulf %mul3A_222, %sub3A_227 : vector<16xf32>
          %mul3A_229 = arith.mulf %add3A_201, %mul3A_228 : vector<16xf32>
          %mul3A_230 = arith.constant 16 : i32
          %mul3A_231 = arith.muli %scan3A_141, %mul3A_230 : i32
          %swap3A = arith.index_cast %mul3A_231 : i32 to index
          %swap3A_232 = tpu.vector_load %arg10[%swap3A] {strides = array<i32>} : memref<1024xf32, #tpu.memory_space<vmem>>, vector<16xf32>,
          tpu.vector_store %arg10[%swap3A], %mul3A_229 {strides = array<i32>} : memref<1024xf32, #tpu.memory_space<vmem>>, vector<16xf32>,
          %mul3A_233 = arith.mulf %sub3A_189, %mul3A_228 : vector<16xf32>
          %swap3A_234 = arith.constant 0 : i32
          %swap3A_235 = arith.index_cast %select_n3A : i32 to index
          %swap3A_236 = arith.index_cast %swap3A_234 : i32 to index
          %swap3A_237 = arith.index_cast %mul3A_177 : i32 to index
          %swap3A_238 = tpu.vector_load %arg12[%swap3A_235, %swap3A_236, %swap3A_237] {strides = array<i32>} : memref<8x3x128xf32, #tpu.memory_space<vmem>>, vector<16xf32>,
          tpu.vector_store %arg12[%swap3A_235, %swap3A_236, %swap3A_237], %mul3A_233 {strides = array<i32>} : memref<8x3x128xf32, #tpu.memory_space<vmem>>, vector<16xf32>,
          %mul3A_239 = arith.mulf %sub3A_191, %mul3A_228 : vector<16xf32>
          %swap3A_240 = arith.constant 1 : i32
          %swap3A_241 = arith.index_cast %select_n3A : i32 to index
          %swap3A_242 = arith.index_cast %swap3A_240 : i32 to index
          %swap3A_243 = arith.index_cast %mul3A_177 : i32 to index
          %swap3A_244 = tpu.vector_load %arg12[%swap3A_241, %swap3A_242, %swap3A_243] {strides = array<i32>} : memref<8x3x128xf32, #tpu.memory_space<vmem>>, vector<16xf32>,
          tpu.vector_store %arg12[%swap3A_241, %swap3A_242, %swap3A_243], %mul3A_239 {strides = array<i32>} : memref<8x3x128xf32, #tpu.memory_space<vmem>>, vector<16xf32>,
          %mul3A_245 = arith.mulf %sub3A_193, %mul3A_228 : vector<16xf32>
          %swap3A_246 = arith.constant 2 : i32
          %swap3A_247 = arith.index_cast %select_n3A : i32 to index
          %swap3A_248 = arith.index_cast %swap3A_246 : i32 to index
          %swap3A_249 = arith.index_cast %mul3A_177 : i32 to index
          %swap3A_250 = tpu.vector_load %arg12[%swap3A_247, %swap3A_248, %swap3A_249] {strides = array<i32>} : memref<8x3x128xf32, #tpu.memory_space<vmem>>, vector<16xf32>,
          tpu.vector_store %arg12[%swap3A_247, %swap3A_248, %swap3A_249], %mul3A_245 {strides = array<i32>} : memref<8x3x128xf32, #tpu.memory_space<vmem>>, vector<16xf32>,
        }
        %scan3A_128 = arith.constant 64 : i32
        %mul3A_129 = arith.constant 1024 : i32
        %mul3A_130 = arith.muli %add3A_50, %mul3A_129 : i32
        %dma_start3A_131 = tpu.memref_slice %arg4[%mul3A_130] : memref<6400000xf32, #tpu.memory_space<hbm>> -> memref<1024xf32, #tpu.memory_space<hbm>>
        %dma_start3A_132 = tpu.memref_slice %arg4[%mul3A_130] : memref<6400000xf32, #tpu.memory_space<hbm>> -> memref<1024xf32, #tpu.memory_space<hbm>>
        tpu.enqueue_dma source(%arg10 : memref<1024xf32, #tpu.memory_space<vmem>>) target(%dma_start3A_132 : memref<1024xf32, #tpu.memory_space<hbm>>) target_semaphore(%arg16 : memref<!tpu.dma_semaphore, #tpu.memory_space<semaphore_mem>>)
        %mul3A_133 = arith.constant 8 : i32
        %mul3A_134 = arith.muli %add3A_50, %mul3A_133 : i32
        %dma_start3A_135 = arith.constant 0 : i32
        %dma_start3A_136 = arith.constant 0 : i32
        %dma_start3A_137 = tpu.memref_slice %arg5[%mul3A_134, %dma_start3A_135, %dma_start3A_136] : memref<50000x4x128xf32, #tpu.memory_space<hbm>> -> memref<8x3x128xf32, #tpu.memory_space<hbm>>
        %dma_start3A_138 = arith.constant 0 : i32
        %dma_start3A_139 = arith.constant 0 : i32
        %dma_start3A_140 = tpu.memref_slice %arg5[%mul3A_134, %dma_start3A_138, %dma_start3A_139] : memref<50000x4x128xf32, #tpu.memory_space<hbm>> -> memref<8x3x128xf32, #tpu.memory_space<hbm>>
        tpu.enqueue_dma source(%arg12 : memref<8x3x128xf32, #tpu.memory_space<vmem>>) target(%dma_start3A_140 : memref<8x3x128xf32, #tpu.memory_space<hbm>>) target_semaphore(%arg16 : memref<!tpu.dma_semaphore, #tpu.memory_space<semaphore_mem>>)
      } else {
      }
      %mul3A_82 = arith.constant 2 : i32
      %mul3A_83 = arith.muli %mul3A_82, %scan3A_45 : i32
      %add3A_84 = arith.constant 1 : i32
      %add3A_85 = arith.addi %mul3A_83, %add3A_84 : i32
      %mul3A_86 = arith.constant 32 : i32
      %mul3A_87 = arith.muli %add3A_85, %mul3A_86 : i32
      %add3A_88 = arith.addi %add3A, %mul3A_87 : i32
      %add3A_89 = arith.constant 32 : i32
      %add3A_90 = arith.addi %add3A_88, %add3A_89 : i32
      %lt3A_91 = arith.constant 6250 : i32
      %lt3A_92 = arith.cmpi slt, %add3A_90, %lt3A_91 : i32
      %convert_element_type3A_93 = arith.extui %lt3A_92 : i1 to i32
      %cond3A_94 = arith.constant 0 : i32
      %cond3A_95 = arith.cmpi ne, %convert_element_type3A_93, %cond3A_94 : i32
      scf.if %cond3A_95 {
        %dma_wait3A_123 = arith.constant 0 : i32
        %dma_wait3A_124 = tpu.memref_slice %arg3[%dma_wait3A_123] : memref<12800000xi32, #tpu.memory_space<hbm>> -> memref<2048xi32, #tpu.memory_space<hbm>>
        %dma_wait3A_125 = arith.constant 0 : i32
        %dma_wait3A_126 = tpu.memref_slice %arg3[%dma_wait3A_125] : memref<12800000xi32, #tpu.memory_space<hbm>> -> memref<2048xi32, #tpu.memory_space<hbm>>
        tpu.wait_dma2 semaphore(%arg18 : memref<!tpu.dma_semaphore, #tpu.memory_space<semaphore_mem>>) src(%dma_wait3A_126 : memref<2048xi32, #tpu.memory_space<hbm>>) dst(%arg6 : memref<2048xi32, #tpu.memory_space<vmem>>)
        %dma_start3A_127 = arith.constant 0 : i32
        %dma_start3A_128 = arith.constant 0 : i32
        %dma_start3A_129 = tpu.memref_slice %arg20[%dma_start3A_127, %dma_start3A_128] : memref<100000x8xf32, #tpu.memory_space<vmem_shared>> -> memref<100000x8xf32, #tpu.memory_space<vmem_shared>>
        tpu.enqueue_indirect_dma source(%dma_start3A_129 : memref<100000x8xf32, #tpu.memory_space<vmem_shared>>) target(%arg8 : memref<2048x8xf32, #tpu.memory_space<vmem>>) offsets(%arg6 : memref<2048xi32, #tpu.memory_space<vmem>>) semaphore(%arg14 : memref<!tpu.dma_semaphore, #tpu.memory_space<semaphore_mem>>)
      } else {
      }
      %lt3A_96 = arith.constant 6250 : i32
      %lt3A_97 = arith.cmpi slt, %add3A_88, %lt3A_96 : i32
      %convert_element_type3A_98 = arith.extui %lt3A_97 : i1 to i32
      %cond3A_99 = arith.constant 0 : i32
      %cond3A_100 = arith.cmpi ne, %convert_element_type3A_98, %cond3A_99 : i32
      scf.if %cond3A_100 {
        %dma_wait3A_123 = arith.constant 0 : i32
        %dma_wait3A_124 = arith.constant 0 : i32
        %dma_wait3A_125 = tpu.memref_slice %arg20[%dma_wait3A_123, %dma_wait3A_124] : memref<100000x8xf32, #tpu.memory_space<vmem_shared>> -> memref<100000x8xf32, #tpu.memory_space<vmem_shared>>
        tpu.wait_indirect_dma semaphore(%arg15 : memref<!tpu.dma_semaphore, #tpu.memory_space<semaphore_mem>>) src(%dma_wait3A_125 : memref<100000x8xf32, #tpu.memory_space<vmem_shared>>) dst(%arg9 : memref<2048x8xf32, #tpu.memory_space<vmem>>)
      } else {
      }
      %add3A_101 = arith.constant 64 : i32
      %add3A_102 = arith.addi %add3A_88, %add3A_101 : i32
      %lt3A_103 = arith.constant 6250 : i32
      %lt3A_104 = arith.cmpi slt, %add3A_102, %lt3A_103 : i32
      %convert_element_type3A_105 = arith.extui %lt3A_104 : i1 to i32
      %cond3A_106 = arith.constant 0 : i32
      %cond3A_107 = arith.cmpi ne, %convert_element_type3A_105, %cond3A_106 : i32
      scf.if %cond3A_107 {
        %add3A_123 = arith.constant 64 : i32
        %add3A_124 = arith.addi %add3A_88, %add3A_123 : i32
        %mul3A_125 = arith.constant 2 : i32
        %mul3A_126 = arith.muli %add3A_124, %mul3A_125 : i32
        %mul3A_127 = arith.constant 1024 : i32
        %mul3A_128 = arith.muli %mul3A_126, %mul3A_127 : i32
        %dma_start3A_129 = tpu.memref_slice %arg3[%mul3A_128] : memref<12800000xi32, #tpu.memory_space<hbm>> -> memref<2048xi32, #tpu.memory_space<hbm>>
        %dma_start3A_130 = tpu.memref_slice %arg3[%mul3A_128] : memref<12800000xi32, #tpu.memory_space<hbm>> -> memref<2048xi32, #tpu.memory_space<hbm>>
        tpu.enqueue_dma source(%dma_start3A_130 : memref<2048xi32, #tpu.memory_space<hbm>>) target(%arg7 : memref<2048xi32, #tpu.memory_space<vmem>>) target_semaphore(%arg19 : memref<!tpu.dma_semaphore, #tpu.memory_space<semaphore_mem>>)
      } else {
      }
      %ge3A_108 = arith.constant 1 : i32
      %ge3A_109 = arith.cmpi sge, %scan3A_45, %ge3A_108 : i32
      %sub3A_110 = arith.constant 64 : i32
      %sub3A_111 = arith.subi %add3A_88, %sub3A_110 : i32
      %lt3A_112 = arith.constant 6250 : i32
      %lt3A_113 = arith.cmpi slt, %sub3A_111, %lt3A_112 : i32
      %and3A_114 = arith.andi %ge3A_109, %lt3A_113 : i1
      %convert_element_type3A_115 = arith.extui %and3A_114 : i1 to i32
      %cond3A_116 = arith.constant 0 : i32
      %cond3A_117 = arith.cmpi ne, %convert_element_type3A_115, %cond3A_116 : i32
      scf.if %cond3A_117 {
        %dma_wait3A_123 = arith.constant 0 : i32
        %dma_wait3A_124 = tpu.memref_slice %arg4[%dma_wait3A_123] : memref<6400000xf32, #tpu.memory_space<hbm>> -> memref<1024xf32, #tpu.memory_space<hbm>>
        %dma_wait3A_125 = arith.constant 0 : i32
        %dma_wait3A_126 = tpu.memref_slice %arg4[%dma_wait3A_125] : memref<6400000xf32, #tpu.memory_space<hbm>> -> memref<1024xf32, #tpu.memory_space<hbm>>
        tpu.wait_dma2 semaphore(%arg17 : memref<!tpu.dma_semaphore, #tpu.memory_space<semaphore_mem>>) src(%dma_wait3A_126 : memref<1024xf32, #tpu.memory_space<hbm>>) dst(%arg11 : memref<1024xf32, #tpu.memory_space<vmem>>)
        %dma_wait3A_127 = arith.constant 0 : i32
        %dma_wait3A_128 = arith.constant 0 : i32
        %dma_wait3A_129 = arith.constant 0 : i32
        %dma_wait3A_130 = tpu.memref_slice %arg5[%dma_wait3A_127, %dma_wait3A_128, %dma_wait3A_129] : memref<50000x4x128xf32, #tpu.memory_space<hbm>> -> memref<8x3x128xf32, #tpu.memory_space<hbm>>
        %dma_wait3A_131 = arith.constant 0 : i32
        %dma_wait3A_132 = arith.constant 0 : i32
        %dma_wait3A_133 = arith.constant 0 : i32
        %dma_wait3A_134 = tpu.memref_slice %arg5[%dma_wait3A_131, %dma_wait3A_132, %dma_wait3A_133] : memref<50000x4x128xf32, #tpu.memory_space<hbm>> -> memref<8x3x128xf32, #tpu.memory_space<hbm>>
        tpu.wait_dma2 semaphore(%arg17 : memref<!tpu.dma_semaphore, #tpu.memory_space<semaphore_mem>>) src(%dma_wait3A_134 : memref<8x3x128xf32, #tpu.memory_space<hbm>>) dst(%arg13 : memref<8x3x128xf32, #tpu.memory_space<vmem>>)
      } else {
      }
      %lt3A_118 = arith.constant 6250 : i32
      %lt3A_119 = arith.cmpi slt, %add3A_88, %lt3A_118 : i32
      %convert_element_type3A_120 = arith.extui %lt3A_119 : i1 to i32
      %cond3A_121 = arith.constant 0 : i32
      %cond3A_122 = arith.cmpi ne, %convert_element_type3A_120, %cond3A_121 : i32
      scf.if %cond3A_122 {
        %scan3A_123 = arith.constant 0 : i32
        %scan3A_124 = arith.constant 0 : i32
        %scan3A_125 = arith.constant 64 : i32
        %scan3A_126 = arith.addi %scan3A_124, %scan3A_125 : i32
        %scan3A_127 = arith.constant 1 : i32
        scf.for %scan3A_141 = %scan3A_124 to %scan3A_126 step %scan3A_127  : i32 {
          %jit3A = arith.constant 8 : i32
          %div3A = arith.divsi %scan3A_141, %jit3A : i32
          %sign3A = arith.constant 0 : i32
          %sign3A_142 = arith.cmpi sgt, %scan3A_141, %sign3A : i32
          %sign3A_143 = arith.extui %sign3A_142 : i1 to i32
          %sign3A_144 = arith.constant 0 : i32
          %sign3A_145 = arith.cmpi slt, %scan3A_141, %sign3A_144 : i32
          %sign3A_146 = arith.extui %sign3A_145 : i1 to i32
          %sign3A_147 = arith.subi %sign3A_143, %sign3A_146 : i32
          %sign3A_148 = arith.constant 0 : i32
          %sign3A_149 = arith.cmpi sgt, %jit3A, %sign3A_148 : i32
          %sign3A_150 = arith.extui %sign3A_149 : i1 to i32
          %sign3A_151 = arith.constant 0 : i32
          %sign3A_152 = arith.cmpi slt, %jit3A, %sign3A_151 : i32
          %sign3A_153 = arith.extui %sign3A_152 : i1 to i32
          %sign3A_154 = arith.subi %sign3A_150, %sign3A_153 : i32
          %ne3A = arith.cmpi ne, %sign3A_147, %sign3A_154 : i32
          %rem3A = arith.remsi %scan3A_141, %jit3A : i32
          %ne3A_155 = arith.constant 0 : i32
          %ne3A_156 = arith.cmpi ne, %rem3A, %ne3A_155 : i32
          %and3A_157 = arith.andi %ne3A, %ne3A_156 : i1
          %sub3A_158 = arith.constant 1 : i32
          %sub3A_159 = arith.subi %div3A, %sub3A_158 : i32
          %select_n3A = arith.select %and3A_157, %sub3A_159, %div3A : i32
          %jit3A_160 = arith.constant 8 : i32
          %eq3A_161 = arith.constant 0 : i32
          %eq3A_162 = arith.cmpi eq, %jit3A_160, %eq3A_161 : i32
          %jit3A_163 = arith.constant 1 : i32
          %select_n3A_164 = arith.select %eq3A_162, %jit3A_163, %jit3A_160 : i32
          %rem3A_165 = arith.remsi %scan3A_141, %select_n3A_164 : i32
          %ne3A_166 = arith.constant 0 : i32
          %ne3A_167 = arith.cmpi ne, %rem3A_165, %ne3A_166 : i32
          %lt3A_168 = arith.constant 0 : i32
          %lt3A_169 = arith.cmpi slt, %rem3A_165, %lt3A_168 : i32
          %lt3A_170 = arith.constant 0 : i32
          %lt3A_171 = arith.cmpi slt, %select_n3A_164, %lt3A_170 : i32
          %ne3A_172 = arith.xori %lt3A_169, %lt3A_171 : i1
          %and3A_173 = arith.andi %ne3A_172, %ne3A_167 : i1
          %add3A_174 = arith.addi %rem3A_165, %select_n3A_164 : i32
          %select_n3A_175 = arith.select %and3A_173, %add3A_174, %rem3A_165 : i32
          %mul3A_176 = arith.constant 16 : i32
          %mul3A_177 = arith.muli %select_n3A_175, %mul3A_176 : i32
          %mul3A_178 = arith.constant 256 : i32
          %mul3A_179 = arith.muli %select_n3A, %mul3A_178 : i32
          %add3A_180 = arith.addi %mul3A_179, %mul3A_177 : i32
          %add3A_181 = vector.broadcast %add3A_180 : i32 to vector<16xi32>
          %add3A_182 = arith.addi %add3A_181, %iota3A : vector<16xi32>
          %add3A_183 = arith.constant 128 : i32
          %add3A_184 = vector.broadcast %add3A_183 : i32 to vector<16xi32>
          %add3A_185 = arith.addi %add3A_182, %add3A_184 : vector<16xi32>
          %gather3A = tpu.vector_load_idx %arg9[%add3A_182, %broadcast_in_dim3A_1] : memref<2048x8xf32, #tpu.memory_space<vmem>>[vector<16xi32>, vector<16xi32>], vector<16xf32>,
          %gather3A_186 = tpu.vector_load_idx %arg9[%add3A_182, %broadcast_in_dim3A_3] : memref<2048x8xf32, #tpu.memory_space<vmem>>[vector<16xi32>, vector<16xi32>], vector<16xf32>,
          %gather3A_187 = tpu.vector_load_idx %arg9[%add3A_182, %broadcast_in_dim3A_5] : memref<2048x8xf32, #tpu.memory_space<vmem>>[vector<16xi32>, vector<16xi32>], vector<16xf32>,
          %gather3A_188 = tpu.vector_load_idx %arg9[%add3A_185, %broadcast_in_dim3A_1] : memref<2048x8xf32, #tpu.memory_space<vmem>>[vector<16xi32>, vector<16xi32>], vector<16xf32>,
          %sub3A_189 = arith.subf %gather3A_188, %gather3A : vector<16xf32>
          %gather3A_190 = tpu.vector_load_idx %arg9[%add3A_185, %broadcast_in_dim3A_3] : memref<2048x8xf32, #tpu.memory_space<vmem>>[vector<16xi32>, vector<16xi32>], vector<16xf32>,
          %sub3A_191 = arith.subf %gather3A_190, %gather3A_186 : vector<16xf32>
          %gather3A_192 = tpu.vector_load_idx %arg9[%add3A_185, %broadcast_in_dim3A_5] : memref<2048x8xf32, #tpu.memory_space<vmem>>[vector<16xi32>, vector<16xi32>], vector<16xf32>,
          %sub3A_193 = arith.subf %gather3A_192, %gather3A_187 : vector<16xf32>
          %mul3A_194 = arith.mulf %sub3A_189, %sub3A_189 : vector<16xf32>
          %mul3A_195 = arith.mulf %sub3A_191, %sub3A_191 : vector<16xf32>
          %add3A_196 = arith.addf %mul3A_194, %mul3A_195 : vector<16xf32>
          %mul3A_197 = arith.mulf %sub3A_193, %sub3A_193 : vector<16xf32>
          %add3A_198 = arith.addf %add3A_196, %mul3A_197 : vector<16xf32>
          %add3A_199 = arith.constant 9.99999997E-7 : f32
          %add3A_200 = vector.broadcast %add3A_199 : f32 to vector<16xf32>
          %add3A_201 = arith.addf %add3A_198, %add3A_200 : vector<16xf32>
          %bitcast3A = vector.bitcast %add3A_201 : vector<16xf32> to vector<16xi32>
          %shift_right_arithmetic3A = arith.constant 1 : i32
          %shift_right_arithmetic3A_202 = vector.broadcast %shift_right_arithmetic3A : i32 to vector<16xi32>
          %shift_right_arithmetic3A_203 = arith.shrsi %bitcast3A, %shift_right_arithmetic3A_202 : vector<16xi32>
          %sub3A_204 = arith.constant 1597463174 : i32
          %sub3A_205 = vector.broadcast %sub3A_204 : i32 to vector<16xi32>
          %sub3A_206 = arith.subi %sub3A_205, %shift_right_arithmetic3A_203 : vector<16xi32>
          %bitcast3A_207 = vector.bitcast %sub3A_206 : vector<16xi32> to vector<16xf32>
          %mul3A_208 = arith.constant 5.000000e-01 : f32
          %mul3A_209 = vector.broadcast %mul3A_208 : f32 to vector<16xf32>
          %mul3A_210 = arith.mulf %mul3A_209, %add3A_201 : vector<16xf32>
          %mul3A_211 = arith.mulf %mul3A_210, %bitcast3A_207 : vector<16xf32>
          %mul3A_212 = arith.mulf %mul3A_211, %bitcast3A_207 : vector<16xf32>
          %sub3A_213 = arith.constant 1.500000e+00 : f32
          %sub3A_214 = vector.broadcast %sub3A_213 : f32 to vector<16xf32>
          %sub3A_215 = arith.subf %sub3A_214, %mul3A_212 : vector<16xf32>
          %mul3A_216 = arith.mulf %bitcast3A_207, %sub3A_215 : vector<16xf32>
          %mul3A_217 = arith.mulf %mul3A_210, %mul3A_216 : vector<16xf32>
          %mul3A_218 = arith.mulf %mul3A_217, %mul3A_216 : vector<16xf32>
          %sub3A_219 = arith.constant 1.500000e+00 : f32
          %sub3A_220 = vector.broadcast %sub3A_219 : f32 to vector<16xf32>
          %sub3A_221 = arith.subf %sub3A_220, %mul3A_218 : vector<16xf32>
          %mul3A_222 = arith.mulf %mul3A_216, %sub3A_221 : vector<16xf32>
          %mul3A_223 = arith.mulf %mul3A_210, %mul3A_222 : vector<16xf32>
          %mul3A_224 = arith.mulf %mul3A_223, %mul3A_222 : vector<16xf32>
          %sub3A_225 = arith.constant 1.500000e+00 : f32
          %sub3A_226 = vector.broadcast %sub3A_225 : f32 to vector<16xf32>
          %sub3A_227 = arith.subf %sub3A_226, %mul3A_224 : vector<16xf32>
          %mul3A_228 = arith.mulf %mul3A_222, %sub3A_227 : vector<16xf32>
          %mul3A_229 = arith.mulf %add3A_201, %mul3A_228 : vector<16xf32>
          %mul3A_230 = arith.constant 16 : i32
          %mul3A_231 = arith.muli %scan3A_141, %mul3A_230 : i32
          %swap3A = arith.index_cast %mul3A_231 : i32 to index
          %swap3A_232 = tpu.vector_load %arg11[%swap3A] {strides = array<i32>} : memref<1024xf32, #tpu.memory_space<vmem>>, vector<16xf32>,
          tpu.vector_store %arg11[%swap3A], %mul3A_229 {strides = array<i32>} : memref<1024xf32, #tpu.memory_space<vmem>>, vector<16xf32>,
          %mul3A_233 = arith.mulf %sub3A_189, %mul3A_228 : vector<16xf32>
          %swap3A_234 = arith.constant 0 : i32
          %swap3A_235 = arith.index_cast %select_n3A : i32 to index
          %swap3A_236 = arith.index_cast %swap3A_234 : i32 to index
          %swap3A_237 = arith.index_cast %mul3A_177 : i32 to index
          %swap3A_238 = tpu.vector_load %arg13[%swap3A_235, %swap3A_236, %swap3A_237] {strides = array<i32>} : memref<8x3x128xf32, #tpu.memory_space<vmem>>, vector<16xf32>,
          tpu.vector_store %arg13[%swap3A_235, %swap3A_236, %swap3A_237], %mul3A_233 {strides = array<i32>} : memref<8x3x128xf32, #tpu.memory_space<vmem>>, vector<16xf32>,
          %mul3A_239 = arith.mulf %sub3A_191, %mul3A_228 : vector<16xf32>
          %swap3A_240 = arith.constant 1 : i32
          %swap3A_241 = arith.index_cast %select_n3A : i32 to index
          %swap3A_242 = arith.index_cast %swap3A_240 : i32 to index
          %swap3A_243 = arith.index_cast %mul3A_177 : i32 to index
          %swap3A_244 = tpu.vector_load %arg13[%swap3A_241, %swap3A_242, %swap3A_243] {strides = array<i32>} : memref<8x3x128xf32, #tpu.memory_space<vmem>>, vector<16xf32>,
          tpu.vector_store %arg13[%swap3A_241, %swap3A_242, %swap3A_243], %mul3A_239 {strides = array<i32>} : memref<8x3x128xf32, #tpu.memory_space<vmem>>, vector<16xf32>,
          %mul3A_245 = arith.mulf %sub3A_193, %mul3A_228 : vector<16xf32>
          %swap3A_246 = arith.constant 2 : i32
          %swap3A_247 = arith.index_cast %select_n3A : i32 to index
          %swap3A_248 = arith.index_cast %swap3A_246 : i32 to index
          %swap3A_249 = arith.index_cast %mul3A_177 : i32 to index
          %swap3A_250 = tpu.vector_load %arg13[%swap3A_247, %swap3A_248, %swap3A_249] {strides = array<i32>} : memref<8x3x128xf32, #tpu.memory_space<vmem>>, vector<16xf32>,
          tpu.vector_store %arg13[%swap3A_247, %swap3A_248, %swap3A_249], %mul3A_245 {strides = array<i32>} : memref<8x3x128xf32, #tpu.memory_space<vmem>>, vector<16xf32>,
        }
        %scan3A_128 = arith.constant 64 : i32
        %mul3A_129 = arith.constant 1024 : i32
        %mul3A_130 = arith.muli %add3A_88, %mul3A_129 : i32
        %dma_start3A_131 = tpu.memref_slice %arg4[%mul3A_130] : memref<6400000xf32, #tpu.memory_space<hbm>> -> memref<1024xf32, #tpu.memory_space<hbm>>
        %dma_start3A_132 = tpu.memref_slice %arg4[%mul3A_130] : memref<6400000xf32, #tpu.memory_space<hbm>> -> memref<1024xf32, #tpu.memory_space<hbm>>
        tpu.enqueue_dma source(%arg11 : memref<1024xf32, #tpu.memory_space<vmem>>) target(%dma_start3A_132 : memref<1024xf32, #tpu.memory_space<hbm>>) target_semaphore(%arg17 : memref<!tpu.dma_semaphore, #tpu.memory_space<semaphore_mem>>)
        %mul3A_133 = arith.constant 8 : i32
        %mul3A_134 = arith.muli %add3A_88, %mul3A_133 : i32
        %dma_start3A_135 = arith.constant 0 : i32
        %dma_start3A_136 = arith.constant 0 : i32
        %dma_start3A_137 = tpu.memref_slice %arg5[%mul3A_134, %dma_start3A_135, %dma_start3A_136] : memref<50000x4x128xf32, #tpu.memory_space<hbm>> -> memref<8x3x128xf32, #tpu.memory_space<hbm>>
        %dma_start3A_138 = arith.constant 0 : i32
        %dma_start3A_139 = arith.constant 0 : i32
        %dma_start3A_140 = tpu.memref_slice %arg5[%mul3A_134, %dma_start3A_138, %dma_start3A_139] : memref<50000x4x128xf32, #tpu.memory_space<hbm>> -> memref<8x3x128xf32, #tpu.memory_space<hbm>>
        tpu.enqueue_dma source(%arg13 : memref<8x3x128xf32, #tpu.memory_space<vmem>>) target(%dma_start3A_140 : memref<8x3x128xf32, #tpu.memory_space<hbm>>) target_semaphore(%arg17 : memref<!tpu.dma_semaphore, #tpu.memory_space<semaphore_mem>>)
      } else {
      }
    }
    %scan3A_31 = arith.constant 98 : i32
    %add3A_32 = arith.constant 6208 : i32
    %add3A_33 = arith.addi %add3A, %add3A_32 : i32
    %lt3A = arith.constant 6250 : i32
    %lt3A_34 = arith.cmpi slt, %add3A_33, %lt3A : i32
    %convert_element_type3A_35 = arith.extui %lt3A_34 : i1 to i32
    %cond3A_36 = arith.constant 0 : i32
    %cond3A_37 = arith.cmpi ne, %convert_element_type3A_35, %cond3A_36 : i32
    scf.if %cond3A_37 {
      %dma_wait3A_45 = arith.constant 0 : i32
      %dma_wait3A_46 = tpu.memref_slice %arg4[%dma_wait3A_45] : memref<6400000xf32, #tpu.memory_space<hbm>> -> memref<1024xf32, #tpu.memory_space<hbm>>
      %dma_wait3A_47 = arith.constant 0 : i32
      %dma_wait3A_48 = tpu.memref_slice %arg4[%dma_wait3A_47] : memref<6400000xf32, #tpu.memory_space<hbm>> -> memref<1024xf32, #tpu.memory_space<hbm>>
      tpu.wait_dma2 semaphore(%arg16 : memref<!tpu.dma_semaphore, #tpu.memory_space<semaphore_mem>>) src(%dma_wait3A_48 : memref<1024xf32, #tpu.memory_space<hbm>>) dst(%arg10 : memref<1024xf32, #tpu.memory_space<vmem>>)
      %dma_wait3A_49 = arith.constant 0 : i32
      %dma_wait3A_50 = arith.constant 0 : i32
      %dma_wait3A_51 = arith.constant 0 : i32
      %dma_wait3A_52 = tpu.memref_slice %arg5[%dma_wait3A_49, %dma_wait3A_50, %dma_wait3A_51] : memref<50000x4x128xf32, #tpu.memory_space<hbm>> -> memref<8x3x128xf32, #tpu.memory_space<hbm>>
      %dma_wait3A_53 = arith.constant 0 : i32
      %dma_wait3A_54 = arith.constant 0 : i32
      %dma_wait3A_55 = arith.constant 0 : i32
      %dma_wait3A_56 = tpu.memref_slice %arg5[%dma_wait3A_53, %dma_wait3A_54, %dma_wait3A_55] : memref<50000x4x128xf32, #tpu.memory_space<hbm>> -> memref<8x3x128xf32, #tpu.memory_space<hbm>>
      tpu.wait_dma2 semaphore(%arg16 : memref<!tpu.dma_semaphore, #tpu.memory_space<semaphore_mem>>) src(%dma_wait3A_56 : memref<8x3x128xf32, #tpu.memory_space<hbm>>) dst(%arg12 : memref<8x3x128xf32, #tpu.memory_space<vmem>>)
    } else {
    }
    %add3A_38 = arith.constant 6240 : i32
    %add3A_39 = arith.addi %add3A, %add3A_38 : i32
    %lt3A_40 = arith.constant 6250 : i32
    %lt3A_41 = arith.cmpi slt, %add3A_39, %lt3A_40 : i32
    %convert_element_type3A_42 = arith.extui %lt3A_41 : i1 to i32
    %cond3A_43 = arith.constant 0 : i32
    %cond3A_44 = arith.cmpi ne, %convert_element_type3A_42, %cond3A_43 : i32
    scf.if %cond3A_44 {
      %dma_wait3A_45 = arith.constant 0 : i32
      %dma_wait3A_46 = tpu.memref_slice %arg4[%dma_wait3A_45] : memref<6400000xf32, #tpu.memory_space<hbm>> -> memref<1024xf32, #tpu.memory_space<hbm>>
      %dma_wait3A_47 = arith.constant 0 : i32
      %dma_wait3A_48 = tpu.memref_slice %arg4[%dma_wait3A_47] : memref<6400000xf32, #tpu.memory_space<hbm>> -> memref<1024xf32, #tpu.memory_space<hbm>>
      tpu.wait_dma2 semaphore(%arg17 : memref<!tpu.dma_semaphore, #tpu.memory_space<semaphore_mem>>) src(%dma_wait3A_48 : memref<1024xf32, #tpu.memory_space<hbm>>) dst(%arg11 : memref<1024xf32, #tpu.memory_space<vmem>>)
      %dma_wait3A_49 = arith.constant 0 : i32
      %dma_wait3A_50 = arith.constant 0 : i32
      %dma_wait3A_51 = arith.constant 0 : i32
      %dma_wait3A_52 = tpu.memref_slice %arg5[%dma_wait3A_49, %dma_wait3A_50, %dma_wait3A_51] : memref<50000x4x128xf32, #tpu.memory_space<hbm>> -> memref<8x3x128xf32, #tpu.memory_space<hbm>>
      %dma_wait3A_53 = arith.constant 0 : i32
      %dma_wait3A_54 = arith.constant 0 : i32
      %dma_wait3A_55 = arith.constant 0 : i32
      %dma_wait3A_56 = tpu.memref_slice %arg5[%dma_wait3A_53, %dma_wait3A_54, %dma_wait3A_55] : memref<50000x4x128xf32, #tpu.memory_space<hbm>> -> memref<8x3x128xf32, #tpu.memory_space<hbm>>
      tpu.wait_dma2 semaphore(%arg17 : memref<!tpu.dma_semaphore, #tpu.memory_space<semaphore_mem>>) src(%dma_wait3A_56 : memref<8x3x128xf32, #tpu.memory_space<hbm>>) dst(%arg13 : memref<8x3x128xf32, #tpu.memory_space<vmem>>)
    } else {
    }
    return
  }
}

</mosaic_0001>

<sc_bundles>
// kernel: kernel.3.cloned.1.call-start
scs
__scs_entry_jumppad:
0x0: {  	(pc) =	sbr.rel $0x88, $3  }
0x1: {  	(tag) =	ssettag $0x0;
	lr =	simm.s32 $0x1  }
0x2: {  	[smem:$0x3F9F] =	sst lr;
	_ =	strace $0xD0000000  }
0x3: {  	_ = 	snop  }
0x4: {  	_ = 	snop  }
0x5: {  	_ = 	snop  }
0x6: {  	_ = 	snop  }
0x7: {  	_ = 	snop  }
__scs_overlays_trampoline_lowered:
0x8: {  	[smem:$0x3FAE] =	sst s0  }
0x9: {  	[smem:$0x3FAF] =	sst s1  }
0xa: {  	[smem:$0x3FB0] =	sst s2  }
0xb: {  	[smem:$0x3FB1] =	sst s3  }
0xc: {  	[smem:$0x3FB2] =	sst s4  }
0xd: {  	[smem:$0x3FB3] =	sst s5  }
0xe: {  	[smem:$0x3FB4] =	sst s6  }
0xf: {  	[smem:$0x3FB5] =	sst s7  }
0x10: {  	[smem:$0x3FB6] =	sst s8  }
0x11: {  	[smem:$0x3FB7] =	sst s9;
	s0 =	simm.s32 @!p0 $0x0  }
0x12: {  	s1 =	sld [smem:$0x3F9D];
	s0 =	simm.s32 @p0 $0x1  }
0x13: {  	[smem:$0x3FB8] =	sst s0;
	s0 =	simm.s32 @!p1 $0x0  }
0x14: {  	s2 =	sld [smem:$0x3F9C];
	s0 =	simm.s32 @p1 $0x1  }
0x15: {  	[smem:$0x3FB9] =	sst s0;
	s0 =	simm.s32 @!p2 $0x0  }
0x16: {  	s3 =	sld [smem:$0x3FDB];
	s0 =	simm.s32 @p2 $0x1  }
0x17: {  	s4 =	simm.s32 $0x1BF5;
	[smem:$0x3FBB] =	sst s0  }
0x18: {  	s0 =	sld [smem:$0x3F9E];
	_ =	swait.ge [sflag:s4], $0x0  }
0x19: {  	s7 =	sld [smem:$0x3F9F]  }
0x1a: {  	s8 =	sadd.s32 $0xFFFFE003, lr  }
0x1b: {  	s9 =	sadd.s32 $0xFFFFFEF7, lr;
	s5 =	simm.s32 $0xFFFFFFFF;
	p2 =	slt.u32 s8, $0xFFFFF086  }
0x1c: {  	p1 =	slt.u32 s9, $0xF7A;
	s5 =	simm.s32 @!p2 $0x0  }
0x1d: {  	s5 =	simm.s32 @p1 $0x1;
	p0 =	seq.s32 s7, s2  }
0x1e: {  	s7 =	smul.u32 @!p0 $0xF7A, s2;
	p2 =	seq.s32 @!p0 s5, $0x0  }
0x1f: {  	s9 =	smul.u32 $0xF7A, s1;
	s8 =	simm.s32 @!p0 $0x1BF5;
	p2 =	por !p2, p0  }
0x20: {  	[sflag:s8] =	ssyncset.s32 @!p0 $0xFFFFF086;
	s6 =	sadd.s32 @!p0 s3, s7;
	s7 =	simm.s32 @!p0 $0x108  }
0x21: {  	s3 =	sadd.s32 s3, s9;
	s6 =	sadd.s32 @!p0 $0x88, s6;
	s7 =	simm.s32 @p2 $0x1082  }
0x22: {  	[simem:s7], [sflag:s8] =	dma.local @!p0 [hbm:s6], $0xF7A  }
0x23: {  	s9 =	sor.u32 $0xD0000000, s2;
	s6 =	simm.s32 $0x108;
	_ =	swait.ge @!p0 [sflag:s8], $0x0  }
0x24: {  	s3 =	sadd.s32 $0x88, s3;
	s6 =	simm.s32 @!p1 $0x1082;
	[sflag:s4] =	ssyncset.s32 $0xFFFFF086  }
0x25: {  	[simem:s6], [sflag:s4] =	dma.local [hbm:s3], $0xF7A  }
0x26: {  	[smem:$0x3F9F] =	sst s1;
	(tag) =	ssettag s2;
	_ =	strace s9  }
0x27: {  	s1 =	sld [smem:$0x3FAF]  }
0x28: {  	s2 =	sld [smem:$0x3FB0]  }
0x29: {  	s4 =	sld [smem:$0x3FB2]  }
0x2a: {  	p0 =	seq.s32 s5, $0x0;
	s5 =	sld [smem:$0x3FB3]  }
0x2b: {  	s6 =	sld [smem:$0x3FB4]  }
0x2c: {  	s7 =	sld [smem:$0x3FB5]  }
0x2d: {  	s3 =	simm.s32 $0x108;
	s8 =	sld [smem:$0x3FB6]  }
0x2e: {  	s3 =	simm.s32 @!p0 $0x1082;
	s9 =	sld [smem:$0x3FB7]  }
0x2f: {  	lr =	sadd.s32 s0, s3;
	s0 =	sld [smem:$0x3FAE]  }
0x30: {  	s3 =	sld [smem:$0x3FB1]  }
0x31: {  	[smem:$0x3FBA] =	sst s10  }
0x32: {  	s10 =	sld [smem:$0x3FB8];
	_ =	sdelay $0x3  }
0x33: {  	p0 =	seq.s32 s10, $0x1;
	s10 =	sld [smem:$0x3FBA];
	_ =	sdelay $0x3  }
0x34: {  	[smem:$0x3FBA] =	sst s10  }
0x35: {  	s10 =	sld [smem:$0x3FB9];
	_ =	sdelay $0x3  }
0x36: {  	p1 =	seq.s32 s10, $0x1;
	s10 =	sld [smem:$0x3FBA];
	_ =	sdelay $0x3  }
0x37: {  	[smem:$0x3FBA] =	sst s10  }
0x38: {  	s10 =	sld [smem:$0x3FBB]  }
0x39: {  	_ = 	snop;
	(pc) =	sbr.ind lr, $3  }
0x3a: {  	_ = 	snop  }
0x3b: {  	_ = 	snop  }
0x3c: {  	p2 =	seq.s32 s10, $0x1;
	s10 =	sld [smem:$0x3FBA]  }
0x3d: {  	_ =	shalt  }
0x3e: {  	_ =	shalt  }
0x3f: {  	_ =	shalt  }
0x40: {  	_ =	shalt  }
0x41: {  	_ =	shalt  }
0x42: {  	_ =	shalt  }
0x43: {  	_ =	shalt  }
0x44: {  	_ =	shalt  }
0x45: {  	_ =	shalt  }
0x46: {  	_ =	shalt  }
0x47: {  	_ =	shalt  }
0x48: {  	_ =	shalt  }
0x49: {  	_ =	shalt  }
0x4a: {  	_ =	shalt  }
0x4b: {  	_ =	shalt  }
0x4c: {  	_ =	shalt  }
0x4d: {  	_ =	shalt  }
0x4e: {  	_ =	shalt  }
0x4f: {  	_ =	shalt  }
0x50: {  	_ =	shalt  }
0x51: {  	_ =	shalt  }
0x52: {  	_ =	shalt  }
0x53: {  	_ =	shalt  }
0x54: {  	_ =	shalt  }
0x55: {  	_ =	shalt  }
0x56: {  	_ =	shalt  }
0x57: {  	_ =	shalt  }
0x58: {  	_ =	shalt  }
0x59: {  	_ =	shalt  }
0x5a: {  	_ =	shalt  }
0x5b: {  	_ =	shalt  }
0x5c: {  	_ =	shalt  }
0x5d: {  	_ =	shalt  }
0x5e: {  	_ =	shalt  }
0x5f: {  	_ =	shalt  }
0x60: {  	_ =	shalt  }
0x61: {  	_ =	shalt  }
0x62: {  	_ =	shalt  }
0x63: {  	_ =	shalt  }
0x64: {  	_ =	shalt  }
0x65: {  	_ =	shalt  }
0x66: {  	_ =	shalt  }
0x67: {  	_ =	shalt  }
0x68: {  	_ =	shalt  }
0x69: {  	_ =	shalt  }
0x6a: {  	_ =	shalt  }
0x6b: {  	_ =	shalt  }
0x6c: {  	_ =	shalt  }
0x6d: {  	_ =	shalt  }
0x6e: {  	_ =	shalt  }
0x6f: {  	_ =	shalt  }
0x70: {  	_ =	shalt  }
0x71: {  	_ =	shalt  }
0x72: {  	_ =	shalt  }
0x73: {  	_ =	shalt  }
0x74: {  	_ =	shalt  }
0x75: {  	_ =	shalt  }
0x76: {  	_ =	shalt  }
0x77: {  	_ =	shalt  }
0x78: {  	_ =	shalt  }
0x79: {  	_ =	shalt  }
0x7a: {  	_ =	shalt  }
0x7b: {  	_ =	shalt  }
0x7c: {  	_ =	shalt  }
0x7d: {  	_ =	shalt  }
0x7e: {  	_ =	shalt  }
0x7f: {  	_ =	shalt  }
0x80: {  	_ =	shalt  }
0x81: {  	_ =	shalt  }
0x82: {  	_ =	shalt  }
0x83: {  	_ =	shalt  }
0x84: {  	_ =	shalt  }
0x85: {  	_ =	shalt  }
0x86: {  	_ =	shalt  }
0x87: {  	_ =	shalt  }
.Lfunc_end0:
.L_simem_size_0:
called_computation_lowered:
.L_overlay_start_0:
0x88: {  	s2 =	sld [smem:$0x3FD9]  }
0x89: {  	s3 =	sld [smem:$0x3FFE];
	_ =	sdelay $0x1  }
0x8a: {  	s1 =	srdreg.scid  }
0x8b: {  	s0 =	sand.u32 $0x1, s1  }
0x8c: {  	s14 =	sshll.u32 s0, $0xA;
	s2 =	sadd.s32 s3, s2  }
0x8d: {  	s2 =	sadd.s32 s2, s14  }
0x8e: {  	[smem:$0x3FC6] =	sst s2  }
0x8f: {  	_ = 	snop  }
0x90: {  	s2 =	sld [smem:$0x3FD0];
	_ =	sdelay $0x2  }
0x91: {  	s4 =	simm.s32 $0xA;
	s5 =	simm.s32 $0x10;
	s15 =	sld [smem:$0x3FC8]  }
0x92: {  	[smem:s5], [sflag:s4] =	dma.local [hbm:s2], $0x1  }
0x93: {  	_ =	swait.eq [sflag:s4], $0x1  }
0x94: {  	[sflag:s4] =	ssyncset.done $0x0  }
0x95: {  	s16 =	sld [smem:$0x10];
	[sflag:s4] =	ssyncadd.s32 $0xFFFFFFFF  }
0x96: {  	s17 =	sld [smem:$0x11];
	(tm) =	ssettm $0x1  }
0x97: {  	s18 =	sld [smem:$0x3FFB];
	_ =	sdelay $0x3  }
0x98: {  	_ =	strace s18  }
0x99: {  	s5 =	sld [smem:$0x3FFC];
	_ =	sdelay $0x3  }
0x9a: {  	_ =	strace s5  }
0x9b: {  	s5 =	sld [smem:$0x3FFD];
	_ =	sdelay $0x3  }
0x9c: {  	_ =	strace s5  }
0x9d: {  	_ =	strace $0x8FFFFFFF  }
0x9e: {  	s19 =	sld [smem:$0x3FDB];
	_ =	sdelay $0x1  }
0x9f: {  	s6 =	simm.s32 $_scs_section_size  }
0xa0: {  	s7 =	simm.s32 $_size__tile_overlayer_lowered;
	s8 =	simm.s32 $_tile_overlayer_lowered  }
0xa1: {  	s22 =	simm.s32 $0x1BFF;
	s21 =	sshll.u32 s8, $0x1;
	s5 =	sadd.s32 s6, s19  }
0xa2: {  	s9 =	simm.s32 $0x0;
	s20 =	sshll.u32 s7, $0x1;
	s7 =	sadd.s32 s21, s5  }
0xa3: {  	[timem:s9], [sflag:s22] =	dma.local [hbm:s7], s20  }
0xa4: {  	_ =	swait.ge [sflag:s22], s20  }
0xa5: {  	s6 =	ssub.s32 $0x0, s20;
	[sflag:s22] =	ssyncset.done $0x0  }
0xa6: {  	[sflag:s22] =	ssyncadd.s32 s6;
	_ =	sdelay $0x1  }
0xa7: {  	s23 =	simm.s32 $0x1B8B  }
0xa8: {  	_ =	swait.ge [sflag:s23], $0x1  }
0xa9: {  	[sflag:s23] =	ssyncset.done $0x0  }
0xaa: {  	s25 =	simm.s32 $0x1B8E;
	s24 =	sld [smem:$0x3FFE];
	[sflag:s23] =	ssyncadd.s32 $0xFFFFFFFF  }
0xab: {  	s26 =	simm.s32 $execute0_lowered;
	[smem:$0x3FD2] =	sst s25  }
0xac: {  	s7 =	sshll.u32 s26, $0x1;
	_ =	strace $0x80000046;
	[dreg:$0x1] =	wrdreg $0xFFFFFFFF  }
0xad: {  	s28 =	simm.s32 $_size_execute0_lowered;
	s5 =	sadd.s32 s5, s7;
	[dreg:$0x0] =	wrdreg $0x0  }
0xae: {  	s7 =	sshll.u32 s28, $0x1;
	[dreg:$0x2] =	wrdreg s5  }
0xaf: {  	[dreg:$0x3] =	wrdreg s7  }
0xb0: {  	[dreg:$0x4] =	wrdreg $0xC0  }
0xb1: {  	_ =	task [dreg:s9], $0x5FFFF  }
0xb2: {  	[dreg:$0x1] =	wrdreg $0xFFFFFFFF  }
0xb3: {  	[dreg:$0x0] =	wrdreg $0x60  }
0xb4: {  	[dreg:$0x2] =	wrdreg s24  }
0xb5: {  	[dreg:$0x3] =	wrdreg s15  }
0xb6: {  	[dreg:$0x4] =	wrdreg s16  }
0xb7: {  	[dreg:$0x5] =	wrdreg s17  }
0xb8: {  	[dreg:$0x6] =	wrdreg $0xB0000  }
0xb9: {  	[dreg:$0x7] =	wrdreg $0x9  }
0xba: {  	_ =	task.clear_ibuf [dreg:s9], $0x8FFFF;
	_ =	strace $0x90000046  }
0xbb: {  	s29 =	simm.s32 $0x9;
	_ =	strace $0x80000048  }
0xbc: {  	_ =	swait.ge [sflag:s29], $0x1  }
0xbd: {  	[sflag:s29] =	ssyncadd.s32 $0xFFFFFFFF  }
0xbe: {  	_ =	strace $0x90000048  }
0xbf: {  	_ =	sfence  }
0xc0: {  	s30 =	sld [smem:$0x0];
	_ =	sdelay $0x2  }
0xc1: {  	s31 =	sshll.u32 s1, $0xD;
	s1 =	sshrl.u32 s1, $0x2  }
0xc2: {  	s3 =	sand.u32 $0x4000, s31;
	s1 =	sadd.s32 s1, s30  }
0xc3: {  	s0 =	sor.u32 s3, s0;
	s1 =	sshll.u32 s1, $0x11  }
0xc4: {  	s0 =	sor.u32 s1, s0  }
0xc5: {  	s0 =	sadd.s32 $0x8F2B, s0  }
0xc6: {  	[sflag:s0] =	ssyncadd.remote.s32 $0x1  }
0xc7: {  	_ =	sfence.sel $0xFFFF  }
0xc8: {  	[dreg:$0x0] =	wrdreg $0xFFFFFFFF;
	(pc) =	sbr.abs _section_cstart, $3  }
0xc9: {  	[dreg:$0x1] =	wrdreg $0xFFFFFFFF  }
0xca: {  	_ =	task.clear_ibuf [dreg:s9], $0x2FFFF;
	_ =	strace $0x9FFFFFFF  }
0xcb: {  	(tm) =	ssettm $0x7FFFFFFF  }
tec
execute0_lowered:
.L_overlay_start_1:
0x0: {  	(tag) =	ssettag $0x1  }
0x1: {  	s0 =	rddreg [dreg:$0x0]  }
0x2: {  	s6 =	rddreg [dreg:$0x1]  }
0x3: {  	s1 =	rddreg [dreg:$0x2]  }
0x4: {  	s2 =	rddreg [dreg:$0x3]  }
0x5: {  	s3 =	rddreg [dreg:$0x4]  }
0x6: {  	s5 =	srdreg.scid;
	s7 =	stileid.u32;
	s4 =	simm.s32 $0x0  }
0x7: {  	s12 =	simm.s32 $0x5;
	s13 =	simm.s32 $0x800;
	s14 =	simm.s32 $0x1000  }
0x8: {  	s15 =	simm.s32 $0x1;
	s16 =	simm.s32 $0x9000;
	s17 =	simm.s32 $0x180  }
0x9: {  	s18 =	simm.s32 $0x200;
	s19 =	simm.s32 $0x9800;
	s20 =	simm.s32 $0x2  }
0xa: {  	s21 =	simm.s32 $0x5000;
	s22 =	simm.s32 $0x9400;
	s23 =	simm.s32 $0xA400  }
0xb: {  	s8 =	sand.u32 $0x1, s5;
	s29 =	sshll.u32 s7, $0x1;
	[smem:$0x7FF] =	sst s4  }
0xc: {  	s0 =	sadd.s32 $0xC00, s0;
	s5 =	sor.u32 s8, s29;
	_ =	strace $0x80000047  }
0xd: {  	s8 =	ssub.s32 $0x2, s8;
	[dreg:$0x6] =	wrdreg s0;
	s9 =	sshll.u32 s5, $0x8  }
.Ltmp0:
0xe: {  	s30 =	sshrl.u32 s8, $0x1;
	s9 =	sadd.s32 s6, s9;
	(pc) =	sbr.rel .LBB2_1-.Ltmp0, $4  }
0xf: {  	v0 =	vlaneseq.u32;
	s0 =	ssub.s32 s8, s30;
	[dreg:$0x7] =	wrdreg s9;
	s31 =	sadd.s32 $0x2000, s9  }
0x10: {  	p0 =	sne.s32 s7, $0x0;
	v0 =	vmul.u32 $0x8, v0;
	s0 =	smax.u32 s0, $0x1;
	[dreg:$0x8] =	wrdreg s31  }
0x11: {  	s25 =	simm.s32 $0x0;
	[dreg:$0x9] =	wrdreg s0;
	s0 =	sshrl.u32 @!p0 s3, $0x3  }
0x12: {  	p1 =	sgt.u32 s7, $0x4;
	v1 =	vor.u32 $0x400, v0;
	s9 =	sadd.s32 $0x4000, s6;
	[dreg:$0xa] =	wrdreg s0  }
.LBB2_13:
0x13: {  	s0 =	simm.s32 $0x3  }
0x14: {  	_ =	swait.ge [sflag:s0], $0x400  }
0x15: {  	[sflag:s0] =	ssyncset.done $0x0  }
0x16: {  	[sflag:s0] =	ssyncadd.s32 $0xFFFFFC00  }
0x17: {  	_ =	swait.ge [sflag:s0], $0xC00  }
0x18: {  	[sflag:s0] =	ssyncset.done $0x0  }
0x19: {  	[sflag:s0] =	ssyncadd.s32 $0xFFFFF400;
	s0 =	simm.s32 @!p1 $0x4  }
0x1a: {  	_ =	swait.ge @!p1 [sflag:s0], $0x400  }
0x1b: {  	[sflag:s0] =	ssyncset.done @!p1 $0x0  }
0x1c: {  	[sflag:s0] =	ssyncadd.s32 @!p1 $0xFFFFFC00  }
0x1d: {  	_ =	swait.ge @!p1 [sflag:s0], $0xC00  }
0x1e: {  	s25 =	sadd.s32 $0x1, s25;
	s6 =	rddreg [dreg:$0x9]  }
0x1f: {  	p2 =	sne.s32 s25, s6  }
.Ltmp1:
0x20: {  	_ = 	snop;
	(pc) =	sbr.rel @!p2 .LBB2_14-.Ltmp1, $3  }
0x21: {  	_ =	sdelay $0x1  }
0x22: {  	[sflag:s0] =	ssyncset.done @!p1 $0x0  }
0x23: {  	[sflag:s0] =	ssyncadd.s32 @!p1 $0xFFFFF400  }
.LBB2_1:
0x24: {  	s6 =	rddreg [dreg:$0x6]  }
0x25: {  	s0 =	simm.s32 @!p0 $0x1C07;
	s7 =	rddreg [dreg:$0xa]  }
0x26: {  	[spmem:s7], [sflag:s0] =	dma.local @!p0 [hbm:s6], $0x186A0  }
0x27: {  	s0 =	simm.s32 @!p0 $0x7  }
0x28: {  	_ =	swait.ge @!p0 [sflag:s0], $0x186A0  }
0x29: {  	[sflag:s0] =	ssyncset.done @!p0 $0x0  }
0x2a: {  	[sflag:s0] =	ssyncadd.s32 @!p0 $0xFFFE7960  }
0x2b: {  	[bflag:$0x0] =	sbarrier.arrive $0xFFFF  }
0x2c: {  	s30 =	rddreg [dreg:$0x7]  }
0x2d: {  	[tilespmem:s4], [sflag:$0x5] =	stream.linear.gather [hbm4b:s30+s4], $0x800, $0x38;
	[tilespmem:$0x17350] =	vst v63  }
0x2e: {  	_ =	swait.ge [sflag:s12], $0x800  }
.Ltmp2:
0x2f: {  	[sflag:s12] =	ssyncset.done $0x0;
	(pc) =	sbr.rel .LBB2_2-.Ltmp2, $4  }
0x30: {  	[sflag:s12] =	ssyncadd.s32 $0xFFFFF800  }
0x31: {  	[tilespmem:s14], [sflag:$0x1] =	stream.indirect.gather [spmem:s3], $0x8, s4, s13, $0xb8;
	[tilespmem:$0x17350] =	vst v63  }
0x32: {  	s26 =	simm.s32 $0x0;
	s31 =	rddreg [dreg:$0x8]  }
0x33: {  	[tilespmem:s13], [sflag:$0x6] =	stream.linear.gather [hbm4b:s31+s4], $0x800, $0x38;
	[tilespmem:$0x17350] =	vst v63  }
.LBB2_12:
0x34: {  	s26 =	sadd.s32 $0x1, s26  }
0x35: {  	p2 =	sne.s32 s26, $0x62  }
.Ltmp3:
0x36: {  	_ = 	snop;
	(pc) =	sbr.rel @!p2 .LBB2_13-.Ltmp3, $1  }
0x37: {  	_ =	sdelay $0x3  }
.LBB2_2:
0x38: {  	s0 =	sshll.u32 s26, $0x6  }
0x39: {  	s28 =	sor.u32 s5, s0  }
0x3a: {  	p2 =	sgt.u32 s28, $0x1849  }
0x3b: {  	s0 =	simm.s32 @!p2 $0x6  }
0x3c: {  	_ =	swait.ge @!p2 [sflag:s0], $0x800  }
0x3d: {  	s7 =	simm.s32 $0x0;
	[sflag:s0] =	ssyncset.done @!p2 $0x0  }
0x3e: {  	s6 =	simm.s32 @!p2 $0x5000;
	[sflag:s0] =	ssyncadd.s32 @!p2 $0xFFFFF800;
	s0 =	simm.s32 @!p2 $0x800  }
0x3f: {  	[tilespmem:s6], [sflag:$0x2] =	stream.indirect.gather @!p2 [spmem:s3], $0x8, s0, s0, $0xb8;
	[tilespmem:$0x17350] =	vst v63  }
0x40: {  	s8 =	simm.s32 $0x0;
	p2 =	sgt.u32 s28, $0x1829;
	_ =	swait.ge [sflag:s15], $0x4000  }
0x41: {  	s29 =	sand.u32 $0x70, s7;
	s0 =	sshll.u32 @!p2 s28, $0x8;
	[sflag:s15] =	ssyncset.done $0x0  }
0x42: {  	s6 =	simm.s32 @!p2 $0x0;
	s0 =	sadd.s32 @!p2 s0, s9;
	[sflag:s15] =	ssyncadd.s32 $0xFFFFC000  }
0x43: {  	[tilespmem:s6], [sflag:$0x5] =	stream.linear.gather @!p2 [hbm4b:s0+s6], $0x800, $0x38;
	[tilespmem:$0x17350] =	vst v63  }
0x44: {  	p2 =	seq.s32 s26, $0x0;
	s0 =	sor.u32 s29, s8  }
0x45: {  	s6 =	simm.s32 @!p2 $0x3;
	v2 =	vmov s0  }
0x46: {  	_ =	swait.ge @!p2 [sflag:s6], $0x400;
	v2 =	vshll.u32 v2, $0x3  }
0x47: {  	[sflag:s6] =	ssyncset.done @!p2 $0x0;
	v3 =	vor.u32 v1, v2  }
0x48: {  	v2 =	vor.u32 v0, v2;
	[sflag:s6] =	ssyncadd.s32 @!p2 $0xFFFFFC00  }
0x49: {  	v4 =	vor.u32 $0x1, v2;
	_ =	swait.ge @!p2 [sflag:s6], $0xC00  }
0x4a: {  	v5 =	vor.u32 $0x1, v3;
	[sflag:s6] =	ssyncset.done @!p2 $0x0  }
0x4b: {  	v6 =	vor.u32 $0x2, v3;
	[sflag:s6] =	ssyncadd.s32 @!p2 $0xFFFFF400  }
0x4c: {  	v7 =	vor.u32 $0x2, v2;
	v3 =	vld.idx.msk [tilespmem:v3+s14+$0x0], $0xffff  }
0x4d: {  	v2 =	vld.idx.msk [tilespmem:v2+s14+$0x0], $0xffff  }
0x4e: {  	v4 =	vld.idx.msk [tilespmem:v4+s14+$0x0], $0xffff  }
0x4f: {  	v5 =	vld.idx.msk [tilespmem:v5+s14+$0x0], $0xffff  }
0x50: {  	v6 =	vld.idx.msk [tilespmem:v6+s14+$0x0], $0xffff  }
0x51: {  	v7 =	vld.idx.msk [tilespmem:v7+s14+$0x0], $0xffff;
	_ =	sdelay $0x2  }
0x52: {  	v2 =	vsub.f32 v3, v2;
	v4 =	vsub.f32 v5, v4;
	_ =	sdelay $0x1  }
0x53: {  	v3 =	vsub.f32 v6, v7;
	v5 =	vmul.f32 v2, v2;
	v6 =	vmul.f32 v4, v4;
	_ =	sdelay $0x1  }
0x54: {  	v5 =	vadd.f32 v6, v5;
	v6 =	vmul.f32 v3, v3;
	_ =	sdelay $0x1  }
0x55: {  	v5 =	vadd.f32 v6, v5;
	_ =	sdelay $0x1  }
0x56: {  	v6 =	vadd.f32 $9.999999970e-07, v5;
	_ =	sdelay $0x1  }
0x57: {  	v5 =	vshra.s32 v6, $0x1;
	v7 =	vmul.f32 $5.000000000e-01, v6  }
0x58: {  	v5 =	vsub.s32 $0x5F375A86, v5  }
0x59: {  	v8 =	vmul.f32 v5, v7;
	_ =	sdelay $0x1  }
0x5a: {  	v8 =	vmul.f32 v5, v8;
	_ =	sdelay $0x1  }
0x5b: {  	v8 =	vsub.f32 $1.500000000e+00, v8;
	_ =	sdelay $0x1  }
0x5c: {  	v5 =	vmul.f32 v5, v8;
	_ =	sdelay $0x1  }
0x5d: {  	v8 =	vmul.f32 v5, v7;
	_ =	sdelay $0x1  }
0x5e: {  	v8 =	vmul.f32 v8, v5;
	_ =	sdelay $0x1  }
0x5f: {  	v8 =	vsub.f32 $1.500000000e+00, v8;
	_ =	sdelay $0x1  }
0x60: {  	v5 =	vmul.f32 v8, v5;
	_ =	sdelay $0x1  }
0x61: {  	v7 =	vmul.f32 v5, v7;
	_ =	sdelay $0x1  }
0x62: {  	v7 =	vmul.f32 v7, v5  }
0x63: {  	s11 =	simm.s32 $0x0  }
0x64: {  	s10 =	simm.s32 $0x0;
	s31 =	simm.s32 $0x10;
	s8 =	smul.u32 $0x600, s11;
	v7 =	vsub.f32 $1.500000000e+00, v7  }
0x65: {  	s7 =	simm.s32 $0x0;
	s0 =	smul.u32 $0x600, s10;
	s10 =	sand.u32 $0x70, s31  }
0x66: {  	s24 =	sor.u32 s10, s7;
	v5 =	vmul.f32 v7, v5  }
0x67: {  	s30 =	simm.s32 $0x9000;
	s7 =	sshra.s32 s8, $0x2;
	v7 =	vmov s24  }
0x68: {  	s8 =	simm.s32 $0x9000;
	s0 =	sshra.s32 s0, $0x2;
	s6 =	simm.s32 $0x2;
	v7 =	vshll.u32 v7, $0x3;
	v6 =	vmul.f32 v5, v6;
	v4 =	vmul.f32 v5, v4  }
.LBB2_3:
0x69: {  	p3 =	sne.s32 s6, $0x3F  }
0x6a: {  	v8 =	vor.u32 v0, v7;
	v7 =	vor.u32 v1, v7;
	v3 =	vmul.f32 v5, v3;
	s30 =	sadd.s32 $0x10, s30;
	s11 =	smov.u32 s6;
	s6 =	sadd.s32 $0x1, s6  }
0x6b: {  	v2 =	vmul.f32 v5, v2;
	s24 =	sor.u32 s29, s0;
	s29 =	smov.u32 s10;
	v9 =	vor.u32 $0x1, v8;
	v10 =	vor.u32 $0x1, v7;
	[tilespmem:s8+$0x0] =	vst v6;
	s8 =	smov.u32 s30  }
0x6c: {  	s0 =	smov.u32 s7;
	v5 =	vor.u32 $0x2, v8;
	v6 =	vor.u32 $0x2, v7;
	[tilespmem:s24+$0x9900] =	vst v3  }
0x6d: {  	[tilespmem:s24+$0x9800] =	vst v2  }
0x6e: {  	[tilespmem:s24+$0x9880] =	vst v4  }
0x6f: {  	v2 =	vld.idx.msk [tilespmem:v7+s14+$0x0], $0xffff  }
0x70: {  	v3 =	vld.idx.msk [tilespmem:v8+s14+$0x0], $0xffff  }
0x71: {  	v4 =	vld.idx.msk [tilespmem:v9+s14+$0x0], $0xffff  }
0x72: {  	v7 =	vld.idx.msk [tilespmem:v10+s14+$0x0], $0xffff  }
0x73: {  	v6 =	vld.idx.msk [tilespmem:v6+s14+$0x0], $0xffff  }
0x74: {  	v5 =	vld.idx.msk [tilespmem:v5+s14+$0x0], $0xffff;
	_ =	sdelay $0x1  }
0x75: {  	v2 =	vsub.f32 v2, v3;
	_ =	sdelay $0x1  }
0x76: {  	v4 =	vsub.f32 v7, v4;
	_ =	sdelay $0x1  }
0x77: {  	v3 =	vsub.f32 v6, v5;
	v5 =	vmul.f32 v2, v2;
	v6 =	vmul.f32 v4, v4;
	_ =	sdelay $0x1  }
0x78: {  	v5 =	vadd.f32 v6, v5;
	v6 =	vmul.f32 v3, v3;
	_ =	sdelay $0x1  }
0x79: {  	v5 =	vadd.f32 v6, v5;
	_ =	sdelay $0x1  }
0x7a: {  	v6 =	vadd.f32 $9.999999970e-07, v5;
	_ =	sdelay $0x1  }
0x7b: {  	v5 =	vshra.s32 v6, $0x1;
	v7 =	vmul.f32 $5.000000000e-01, v6  }
0x7c: {  	v5 =	vsub.s32 $0x5F375A86, v5  }
0x7d: {  	v8 =	vmul.f32 v5, v7;
	_ =	sdelay $0x1  }
0x7e: {  	v8 =	vmul.f32 v5, v8;
	_ =	sdelay $0x1  }
0x7f: {  	v8 =	vsub.f32 $1.500000000e+00, v8;
	_ =	sdelay $0x1  }
0x80: {  	v5 =	vmul.f32 v5, v8;
	_ =	sdelay $0x1  }
0x81: {  	v8 =	vmul.f32 v5, v7;
	_ =	sdelay $0x1  }
0x82: {  	v8 =	vmul.f32 v8, v5;
	_ =	sdelay $0x1  }
0x83: {  	v8 =	vsub.f32 $1.500000000e+00, v8;
	_ =	sdelay $0x1  }
0x84: {  	v5 =	vmul.f32 v8, v5;
	_ =	sdelay $0x1  }
0x85: {  	v7 =	vmul.f32 v5, v7;
	_ =	sdelay $0x1  }
0x86: {  	v7 =	vmul.f32 v7, v5;
	_ =	sdelay $0x1  }
.Ltmp4:
0x87: {  	s31 =	sadd.s32 $0x10, s31;
	s7 =	sshrl.u32 s11, $0x3;
	v7 =	vsub.f32 $1.500000000e+00, v7;
	(pc) =	sbr.rel @p3 .LBB2_3-.Ltmp4, $4  }
0x88: {  	s10 =	sand.u32 $0x70, s31;
	s11 =	sshll.u32 s7, $0x8;
	s7 =	smul.u32 $0x600, s7  }
0x89: {  	s11 =	sor.u32 s10, s11;
	v5 =	vmul.f32 v7, v5  }
0x8a: {  	s7 =	sshra.s32 s7, $0x2;
	v7 =	vmov s11  }
0x8b: {  	v7 =	vshll.u32 v7, $0x3;
	v6 =	vmul.f32 v5, v6;
	v4 =	vmul.f32 v5, v4  }
0x8c: {  	v8 =	vor.u32 v1, v7;
	v3 =	vmul.f32 v5, v3  }
0x8d: {  	v55 =	vor.u32 v0, v7;
	v2 =	vmul.f32 v5, v2;
	s0 =	sor.u32 s29, s0;
	[tilespmem:s8+$0x0] =	vst v6  }
0x8e: {  	v56 =	vor.u32 $0x1, v55;
	[tilespmem:s0+$0x9900] =	vst v3  }
0x8f: {  	v3 =	vor.u32 $0x1, v8;
	[tilespmem:s0+$0x9800] =	vst v2  }
0x90: {  	v57 =	vor.u32 $0x2, v55;
	[tilespmem:s0+$0x9880] =	vst v4  }
0x91: {  	v2 =	vor.u32 $0x2, v8;
	v6 =	vld.idx.msk [tilespmem:v8+s14+$0x0], $0xffff  }
0x92: {  	v7 =	vld.idx.msk [tilespmem:v55+s14+$0x0], $0xffff  }
0x93: {  	v5 =	vld.idx.msk [tilespmem:v56+s14+$0x0], $0xffff  }
0x94: {  	v3 =	vld.idx.msk [tilespmem:v3+s14+$0x0], $0xffff  }
0x95: {  	v4 =	vld.idx.msk [tilespmem:v57+s14+$0x0], $0xffff  }
0x96: {  	v2 =	vld.idx.msk [tilespmem:v2+s14+$0x0], $0xffff;
	_ =	sdelay $0x2  }
0x97: {  	v6 =	vsub.f32 v6, v7;
	v3 =	vsub.f32 v3, v5;
	_ =	sdelay $0x1  }
0x98: {  	v2 =	vsub.f32 v2, v4;
	v58 =	vmul.f32 v6, v6;
	v5 =	vmul.f32 v3, v3;
	_ =	sdelay $0x1  }
0x99: {  	v59 =	vmul.f32 v2, v2;
	v4 =	vadd.f32 v5, v58;
	_ =	sdelay $0x1  }
0x9a: {  	v4 =	vadd.f32 v59, v4;
	_ =	sdelay $0x1  }
0x9b: {  	v4 =	vadd.f32 $9.999999970e-07, v4;
	_ =	sdelay $0x1  }
0x9c: {  	v60 =	vshra.s32 v4, $0x1;
	v61 =	vmul.f32 $5.000000000e-01, v4  }
0x9d: {  	v5 =	vsub.s32 $0x5F375A86, v60  }
0x9e: {  	v62 =	vmul.f32 v5, v61;
	_ =	sdelay $0x1  }
0x9f: {  	v8 =	vmul.f32 v5, v62;
	_ =	sdelay $0x1  }
0xa0: {  	v8 =	vsub.f32 $1.500000000e+00, v8;
	_ =	sdelay $0x1  }
0xa1: {  	v5 =	vmul.f32 v5, v8;
	_ =	sdelay $0x1  }
0xa2: {  	v8 =	vmul.f32 v5, v61;
	_ =	sdelay $0x1  }
0xa3: {  	v8 =	vmul.f32 v8, v5;
	_ =	sdelay $0x1  }
0xa4: {  	v8 =	vsub.f32 $1.500000000e+00, v8;
	_ =	sdelay $0x1  }
0xa5: {  	v5 =	vmul.f32 v8, v5;
	_ =	sdelay $0x1  }
0xa6: {  	v7 =	vmul.f32 v5, v61;
	_ =	sdelay $0x1  }
0xa7: {  	v7 =	vmul.f32 v7, v5;
	_ =	sdelay $0x1  }
0xa8: {  	v7 =	vsub.f32 $1.500000000e+00, v7;
	_ =	sdelay $0x1  }
0xa9: {  	v5 =	vmul.f32 v7, v5;
	_ =	sdelay $0x1  }
0xaa: {  	v4 =	vmul.f32 v5, v4  }
0xab: {  	s24 =	sadd.s32 $0x10, s30;
	s29 =	sor.u32 s10, s7;
	v2 =	vmul.f32 v5, v2  }
0xac: {  	s6 =	sshll.u32 s28, $0x7;
	s31 =	sshll.u32 s28, $0x9;
	s28 =	sor.u32 $0x20, s28;
	v63 =	vmul.f32 v5, v6;
	[tilespmem:s24+$0x0] =	vst v4  }
0xad: {  	p3 =	sgt.u32 s28, $0x1849;
	v3 =	vmul.f32 v5, v3;
	[tilespmem:s29+$0x9900] =	vst v2  }
.Ltmp5:
0xae: {  	[tilespmem:s29+$0x9800] =	vst v63;
	(pc) =	sbr.rel @p3 .LBB2_6-.Ltmp5, $4  }
0xaf: {  	s30 =	sadd.s32 s1, s6;
	[tilespmem:s29+$0x9880] =	vst v3  }
0xb0: {  	[hbm4b:s30+s4] =	stream.linear.scatter [tilespmem:s16], [sflag:$0x3], $0x400, $0x38;
	[tilespmem:$0x17350] =	vst v63  }
0xb1: {  	s0 =	sadd.s32 s2, s31  }
0xb2: {  	[hbm4b:s0+s17] =	stream.strided.scatter [tilespmem:s19], [sflag:$0x3], $0xC00, s18, s17, $0x38;
	[tilespmem:$0x17350] =	vst v63  }
.Ltmp6:
0xb3: {  	(pc) =	sbr.rel .LBB2_7-.Ltmp6, $4  }
0xb4: {  	_ =	swait.ge [sflag:s12], $0x800  }
0xb5: {  	[sflag:s12] =	ssyncset.done $0x0  }
0xb6: {  	[sflag:s12] =	ssyncadd.s32 $0xFFFFF800  }
0xb7: {  	[tilespmem:s14], [sflag:$0x1] =	stream.indirect.gather [spmem:s3], $0x8, s4, s13, $0xb8;
	[tilespmem:$0x17350] =	vst v63  }
.LBB2_6:
0xb8: {  	p4 =	sgt.u32 s28, $0x1869  }
.Ltmp7:
0xb9: {  	_ = 	snop;
	(pc) =	sbr.rel @p4 .LBB2_8-.Ltmp7, $2  }
0xba: {  	_ =	sdelay $0x2  }
0xbb: {  	p3 =	por $0x0, $0x0  }
.LBB2_7:
0xbc: {  	_ =	swait.ge [sflag:s20], $0x4000;
	p4 =	sgt.u32 s28, $0x1829  }
0xbd: {  	p3 =	por $0x1, $0x1;
	[sflag:s20] =	ssyncset.done $0x0;
	s0 =	sshll.u32 @!p4 s28, $0x8  }
0xbe: {  	s6 =	simm.s32 @!p4 $0x0;
	s7 =	simm.s32 @!p4 $0x800;
	p5 =	por @!p4 $0x1, $0x1  }
0xbf: {  	[sflag:s20] =	ssyncadd.s32 $0xFFFFC000;
	s0 =	sadd.s32 @!p4 s0, s9;
	p3 =	por @!p4 p5, p5  }
0xc0: {  	[tilespmem:s7], [sflag:$0x6] =	stream.linear.gather @!p4 [hbm4b:s0+s6], $0x800, $0x38;
	[tilespmem:$0x17350] =	vst v63  }
.LBB2_8:
0xc1: {  	s0 =	simm.s32 @!p2 $0x4  }
0xc2: {  	_ =	swait.ge @!p2 [sflag:s0], $0x400  }
.Ltmp8:
0xc3: {  	[sflag:s0] =	ssyncset.done @!p2 $0x0;
	(pc) =	sbr.rel @!p3 .LBB2_12-.Ltmp8, $4  }
0xc4: {  	[sflag:s0] =	ssyncadd.s32 @!p2 $0xFFFFFC00  }
0xc5: {  	_ =	swait.ge @!p2 [sflag:s0], $0xC00  }
0xc6: {  	[sflag:s0] =	ssyncset.done @!p2 $0x0  }
0xc7: {  	[sflag:s0] =	ssyncadd.s32 @!p2 $0xFFFFF400  }
0xc8: {  	s0 =	simm.s32 $0x0  }
0xc9: {  	s10 =	simm.s32 $0x0;
	s29 =	sand.u32 $0x70, s0  }
0xca: {  	s0 =	sor.u32 s29, s10  }
0xcb: {  	v2 =	vmov s0  }
0xcc: {  	v2 =	vshll.u32 v2, $0x3  }
0xcd: {  	v3 =	vor.u32 v1, v2  }
0xce: {  	v2 =	vor.u32 v0, v2  }
0xcf: {  	v4 =	vor.u32 $0x1, v2  }
0xd0: {  	v5 =	vor.u32 $0x1, v3  }
0xd1: {  	v6 =	vor.u32 $0x2, v3  }
0xd2: {  	v7 =	vor.u32 $0x2, v2;
	v3 =	vld.idx.msk [tilespmem:v3+s21+$0x0], $0xffff  }
0xd3: {  	v2 =	vld.idx.msk [tilespmem:v2+s21+$0x0], $0xffff  }
0xd4: {  	v4 =	vld.idx.msk [tilespmem:v4+s21+$0x0], $0xffff  }
0xd5: {  	v5 =	vld.idx.msk [tilespmem:v5+s21+$0x0], $0xffff  }
0xd6: {  	v6 =	vld.idx.msk [tilespmem:v6+s21+$0x0], $0xffff  }
0xd7: {  	v7 =	vld.idx.msk [tilespmem:v7+s21+$0x0], $0xffff;
	_ =	sdelay $0x2  }
0xd8: {  	v2 =	vsub.f32 v3, v2;
	v4 =	vsub.f32 v5, v4;
	_ =	sdelay $0x1  }
0xd9: {  	v3 =	vsub.f32 v6, v7;
	v5 =	vmul.f32 v2, v2;
	v6 =	vmul.f32 v4, v4;
	_ =	sdelay $0x1  }
0xda: {  	v5 =	vadd.f32 v6, v5;
	v6 =	vmul.f32 v3, v3;
	_ =	sdelay $0x1  }
0xdb: {  	v5 =	vadd.f32 v6, v5;
	_ =	sdelay $0x1  }
0xdc: {  	v6 =	vadd.f32 $9.999999970e-07, v5;
	_ =	sdelay $0x1  }
0xdd: {  	v5 =	vshra.s32 v6, $0x1;
	v7 =	vmul.f32 $5.000000000e-01, v6  }
0xde: {  	v5 =	vsub.s32 $0x5F375A86, v5  }
0xdf: {  	v8 =	vmul.f32 v5, v7;
	_ =	sdelay $0x1  }
0xe0: {  	v8 =	vmul.f32 v5, v8;
	_ =	sdelay $0x1  }
0xe1: {  	v8 =	vsub.f32 $1.500000000e+00, v8;
	_ =	sdelay $0x1  }
0xe2: {  	v5 =	vmul.f32 v5, v8;
	_ =	sdelay $0x1  }
0xe3: {  	v8 =	vmul.f32 v5, v7;
	_ =	sdelay $0x1  }
0xe4: {  	v8 =	vmul.f32 v8, v5;
	_ =	sdelay $0x1  }
0xe5: {  	v8 =	vsub.f32 $1.500000000e+00, v8;
	_ =	sdelay $0x1  }
0xe6: {  	v5 =	vmul.f32 v8, v5;
	_ =	sdelay $0x1  }
0xe7: {  	v7 =	vmul.f32 v5, v7;
	_ =	sdelay $0x1  }
0xe8: {  	v7 =	vmul.f32 v7, v5;
	_ =	sdelay $0x1  }
0xe9: {  	s11 =	simm.s32 $0x0;
	s31 =	simm.s32 $0x10;
	s6 =	simm.s32 $0x0;
	v7 =	vsub.f32 $1.500000000e+00, v7  }
0xea: {  	s7 =	simm.s32 $0x0;
	s8 =	smul.u32 $0x600, s6;
	s10 =	sand.u32 $0x70, s31  }
0xeb: {  	s0 =	smul.u32 $0x600, s11;
	s24 =	sor.u32 s10, s7;
	v5 =	vmul.f32 v7, v5  }
0xec: {  	s30 =	simm.s32 $0x9400;
	s6 =	simm.s32 $0x2;
	v7 =	vmov s24  }
0xed: {  	s7 =	sshra.s32 s8, $0x2;
	s8 =	simm.s32 $0x9400;
	s0 =	sshra.s32 s0, $0x2;
	v7 =	vshll.u32 v7, $0x3;
	v6 =	vmul.f32 v5, v6;
	v4 =	vmul.f32 v5, v4  }
.LBB2_10:
0xee: {  	p2 =	sne.s32 s6, $0x3F  }
0xef: {  	v8 =	vor.u32 v0, v7;
	v7 =	vor.u32 v1, v7;
	v3 =	vmul.f32 v5, v3;
	s30 =	sadd.s32 $0x10, s30;
	s11 =	smov.u32 s6;
	s6 =	sadd.s32 $0x1, s6  }
0xf0: {  	v2 =	vmul.f32 v5, v2;
	s24 =	sor.u32 s29, s0;
	s29 =	smov.u32 s10;
	v9 =	vor.u32 $0x1, v8;
	v10 =	vor.u32 $0x1, v7;
	[tilespmem:s8+$0x0] =	vst v6;
	s8 =	smov.u32 s30  }
0xf1: {  	s0 =	smov.u32 s7;
	v5 =	vor.u32 $0x2, v8;
	v6 =	vor.u32 $0x2, v7;
	[tilespmem:s24+$0xA500] =	vst v3  }
0xf2: {  	[tilespmem:s24+$0xA400] =	vst v2  }
0xf3: {  	[tilespmem:s24+$0xA480] =	vst v4  }
0xf4: {  	v2 =	vld.idx.msk [tilespmem:v7+s21+$0x0], $0xffff  }
0xf5: {  	v3 =	vld.idx.msk [tilespmem:v8+s21+$0x0], $0xffff  }
0xf6: {  	v4 =	vld.idx.msk [tilespmem:v9+s21+$0x0], $0xffff  }
0xf7: {  	v7 =	vld.idx.msk [tilespmem:v10+s21+$0x0], $0xffff  }
0xf8: {  	v6 =	vld.idx.msk [tilespmem:v6+s21+$0x0], $0xffff  }
0xf9: {  	v5 =	vld.idx.msk [tilespmem:v5+s21+$0x0], $0xffff;
	_ =	sdelay $0x1  }
0xfa: {  	v2 =	vsub.f32 v2, v3;
	_ =	sdelay $0x1  }
0xfb: {  	v4 =	vsub.f32 v7, v4;
	_ =	sdelay $0x1  }
0xfc: {  	v3 =	vsub.f32 v6, v5;
	v5 =	vmul.f32 v2, v2;
	v6 =	vmul.f32 v4, v4;
	_ =	sdelay $0x1  }
0xfd: {  	v5 =	vadd.f32 v6, v5;
	v6 =	vmul.f32 v3, v3;
	_ =	sdelay $0x1  }
0xfe: {  	v5 =	vadd.f32 v6, v5;
	_ =	sdelay $0x1  }
0xff: {  	v6 =	vadd.f32 $9.999999970e-07, v5;
	_ =	sdelay $0x1  }
0x100: {  	v5 =	vshra.s32 v6, $0x1;
	v7 =	vmul.f32 $5.000000000e-01, v6  }
0x101: {  	v5 =	vsub.s32 $0x5F375A86, v5  }
0x102: {  	v8 =	vmul.f32 v5, v7;
	_ =	sdelay $0x1  }
0x103: {  	v8 =	vmul.f32 v5, v8;
	_ =	sdelay $0x1  }
0x104: {  	v8 =	vsub.f32 $1.500000000e+00, v8;
	_ =	sdelay $0x1  }
0x105: {  	v5 =	vmul.f32 v5, v8;
	_ =	sdelay $0x1  }
0x106: {  	v8 =	vmul.f32 v5, v7;
	_ =	sdelay $0x1  }
0x107: {  	v8 =	vmul.f32 v8, v5;
	_ =	sdelay $0x1  }
0x108: {  	v8 =	vsub.f32 $1.500000000e+00, v8;
	_ =	sdelay $0x1  }
0x109: {  	v5 =	vmul.f32 v8, v5;
	_ =	sdelay $0x1  }
0x10a: {  	v7 =	vmul.f32 v5, v7;
	_ =	sdelay $0x1  }
0x10b: {  	v7 =	vmul.f32 v7, v5;
	_ =	sdelay $0x1  }
.Ltmp9:
0x10c: {  	s31 =	sadd.s32 $0x10, s31;
	s7 =	sshrl.u32 s11, $0x3;
	v7 =	vsub.f32 $1.500000000e+00, v7;
	(pc) =	sbr.rel @p2 .LBB2_10-.Ltmp9, $4  }
0x10d: {  	s10 =	sand.u32 $0x70, s31;
	s11 =	sshll.u32 s7, $0x8;
	s7 =	smul.u32 $0x600, s7  }
0x10e: {  	s11 =	sor.u32 s10, s11;
	v5 =	vmul.f32 v7, v5  }
0x10f: {  	s7 =	sshra.s32 s7, $0x2;
	v7 =	vmov s11  }
0x110: {  	v7 =	vshll.u32 v7, $0x3;
	v6 =	vmul.f32 v5, v6;
	v4 =	vmul.f32 v5, v4  }
0x111: {  	v8 =	vor.u32 v1, v7;
	v3 =	vmul.f32 v5, v3  }
0x112: {  	v55 =	vor.u32 v0, v7;
	v2 =	vmul.f32 v5, v2;
	s0 =	sor.u32 s29, s0;
	[tilespmem:s8+$0x0] =	vst v6  }
0x113: {  	v56 =	vor.u32 $0x1, v55;
	[tilespmem:s0+$0xA500] =	vst v3  }
0x114: {  	v3 =	vor.u32 $0x1, v8;
	[tilespmem:s0+$0xA400] =	vst v2  }
0x115: {  	v57 =	vor.u32 $0x2, v55;
	[tilespmem:s0+$0xA480] =	vst v4  }
0x116: {  	v2 =	vor.u32 $0x2, v8;
	v6 =	vld.idx.msk [tilespmem:v8+s21+$0x0], $0xffff  }
0x117: {  	v7 =	vld.idx.msk [tilespmem:v55+s21+$0x0], $0xffff  }
0x118: {  	v5 =	vld.idx.msk [tilespmem:v56+s21+$0x0], $0xffff  }
0x119: {  	v3 =	vld.idx.msk [tilespmem:v3+s21+$0x0], $0xffff  }
0x11a: {  	v4 =	vld.idx.msk [tilespmem:v57+s21+$0x0], $0xffff  }
0x11b: {  	v2 =	vld.idx.msk [tilespmem:v2+s21+$0x0], $0xffff;
	_ =	sdelay $0x2  }
0x11c: {  	v6 =	vsub.f32 v6, v7;
	v3 =	vsub.f32 v3, v5;
	_ =	sdelay $0x1  }
0x11d: {  	v2 =	vsub.f32 v2, v4;
	v58 =	vmul.f32 v6, v6;
	v5 =	vmul.f32 v3, v3;
	_ =	sdelay $0x1  }
0x11e: {  	v59 =	vmul.f32 v2, v2;
	v4 =	vadd.f32 v5, v58;
	_ =	sdelay $0x1  }
0x11f: {  	v4 =	vadd.f32 v59, v4;
	_ =	sdelay $0x1  }
0x120: {  	v4 =	vadd.f32 $9.999999970e-07, v4;
	_ =	sdelay $0x1  }
0x121: {  	v60 =	vshra.s32 v4, $0x1;
	v61 =	vmul.f32 $5.000000000e-01, v4  }
0x122: {  	v5 =	vsub.s32 $0x5F375A86, v60  }
0x123: {  	v62 =	vmul.f32 v5, v61;
	_ =	sdelay $0x1  }
0x124: {  	v8 =	vmul.f32 v5, v62;
	_ =	sdelay $0x1  }
0x125: {  	v8 =	vsub.f32 $1.500000000e+00, v8;
	_ =	sdelay $0x1  }
0x126: {  	v5 =	vmul.f32 v5, v8;
	_ =	sdelay $0x1  }
0x127: {  	v8 =	vmul.f32 v5, v61;
	_ =	sdelay $0x1  }
0x128: {  	v8 =	vmul.f32 v8, v5;
	_ =	sdelay $0x1  }
0x129: {  	v8 =	vsub.f32 $1.500000000e+00, v8;
	_ =	sdelay $0x1  }
0x12a: {  	v5 =	vmul.f32 v8, v5;
	_ =	sdelay $0x1  }
0x12b: {  	v7 =	vmul.f32 v5, v61;
	_ =	sdelay $0x1  }
0x12c: {  	v7 =	vmul.f32 v7, v5;
	_ =	sdelay $0x1  }
0x12d: {  	v7 =	vsub.f32 $1.500000000e+00, v7;
	_ =	sdelay $0x1  }
0x12e: {  	v5 =	vmul.f32 v7, v5;
	_ =	sdelay $0x1  }
0x12f: {  	v4 =	vmul.f32 v5, v4  }
0x130: {  	s24 =	sadd.s32 $0x10, s30;
	v2 =	vmul.f32 v5, v2  }
0x131: {  	s29 =	sor.u32 s10, s7;
	v63 =	vmul.f32 v5, v6;
	[tilespmem:s24+$0x0] =	vst v4  }
0x132: {  	v3 =	vmul.f32 v5, v3;
	[tilespmem:s29+$0xA500] =	vst v2  }
.Ltmp10:
0x133: {  	s6 =	sshll.u32 s28, $0x7;
	[tilespmem:s29+$0xA400] =	vst v63;
	(pc) =	sbr.rel .LBB2_12-.Ltmp10, $4  }
0x134: {  	s31 =	sshll.u32 s28, $0x9;
	s30 =	sadd.s32 s1, s6;
	[tilespmem:s29+$0xA480] =	vst v3  }
0x135: {  	[hbm4b:s30+s4] =	stream.linear.scatter [tilespmem:s22], [sflag:$0x4], $0x400, $0x38;
	[tilespmem:$0x17350] =	vst v63  }
0x136: {  	s0 =	sadd.s32 s2, s31  }
0x137: {  	[hbm4b:s0+s17] =	stream.strided.scatter [tilespmem:s23], [sflag:$0x4], $0xC00, s18, s17, $0x38;
	[tilespmem:$0x17350] =	vst v63  }
.LBB2_14:
0x138: {  	_ =	sfence.sel $0x180000  }
0x139: {  	[bflag:$0x0] =	sbarrier.arrive $0xFFFF  }
0x13a: {  	_ =	strace $0x90000047  }
0x13b: {  	[bflag:$0x2] =	sbarrier.arrive $0xFFFF  }
0x13c: {  	s0 =	rddreg [dreg:$0x5]  }
0x13d: {  	s0 =	sadd.s32 @!p0 $0x100000, s0  }
0x13e: {  	[sflag:s0] =	ssyncadd.tile.s32 @!p0 $0x1;
	_ =	shalt  }
.Lfunc_end2:
_tile_overlayer_lowered:
.L_overlay_start_2:
0x13f: {  	(tag) =	ssettag $0x2  }
0x140: {  	s0 =	rddreg [dreg:$0x0];
	s2 =	stileid.u32  }
0x141: {  	s1 =	rddreg [dreg:$0x1];
	p0 =	sne.s32 s2, $0x0  }
0x142: {  	s3 =	rddreg [dreg:$0x2];
	[bflag:$0x3] =	sbarrier.arrive $0xFFFF;
	s2 =	simm.s32 @!p0 $0x1C07  }
0x143: {  	[timem:s3], [sflag:s2] =	dma.local @!p0 [hbm:s0], s1  }
0x144: {  	s0 =	simm.s32 @!p0 $0x7  }
0x145: {  	_ =	swait.ge @!p0 [sflag:s0], s1  }
0x146: {  	s1 =	ssub.s32 @!p0 $0x0, s1;
	[sflag:s0] =	ssyncset.done @!p0 $0x0  }
0x147: {  	[sflag:s0] =	ssyncadd.s32 @!p0 s1  }
0x148: {  	[bflag:$0x3] =	sbarrier.arrive $0xFFFF  }
0x149: {  	_ =	shalt  }

</sc_bundles>
